<compile_context>
chip_gen: v7x
topology: tpu7x:2x2x1
jax: 0.10.2.dev20260603
libtpu: 0.0.44.dev20260713+nightly
codegen_flags: <defaults>
</compile_context>

<pallas_src>
import functools

import jax
import jax.numpy as jnp
import numpy as np
from jax import lax
from jax.experimental import pallas as pl
from jax.experimental.pallas import tpu as pltpu
from jax.experimental.pallas import tpu_sc as plsc

HH, WW, K = 128, 352, 25
NC, NS, L = 2, 16, 16
NW = NC * NS
SX = 2.0 / (WW - 1)
SY = 2.0 / (HH - 1)
MAGIC = np.float32(12582912.0)
NEG = np.float32(-1e30)
RSQRT_SEED = np.int32(0x5F3759DF)


L2E = np.float32(1.4426950408889634)
EC5 = np.float32(0.0013260914711281657)
EC4 = np.float32(0.009670180268585682)
EC3 = np.float32(0.055507123470306396)
EC2 = np.float32(0.2402222454547882)
EC1 = np.float32(0.6931470036506653)
EC0 = np.float32(1.0)


def _exp(t):
  z = jnp.maximum(t * L2E, -126.0)
  k = (z + MAGIC) - MAGIC
  f = z - k
  p = EC5
  for c in (EC4, EC3, EC2, EC1, EC0):
    p = p * f + c
  scale = plsc.bitcast(
      lax.shift_left(k.astype(jnp.int32) + 127, 23), jnp.float32)
  return p * scale


def _rcp(x):
  r = 1.0 / x
  r = r * (2.0 - x * r)
  r = r * (2.0 - x * r)
  return r


def _merge32(T0, T1, I0, I1, s, si):
  cs, ci = plsc.sort_key_val(s, si, descending=True)
  rc = lax.rev(cs, (0,))
  rci = lax.rev(ci, (0,))
  gt = T1 >= rc
  u = jnp.where(gt, T1, rc)
  ui = jnp.where(gt, I1, rci)
  us, uis = plsc.sort_key_val(u, ui, descending=True)
  ru = lax.rev(us, (0,))
  rui = lax.rev(uis, (0,))
  g0 = T0 >= ru
  v = jnp.where(g0, T0, ru)
  vi = jnp.where(g0, I0, rui)
  w = jnp.where(g0, ru, T0)
  wi = jnp.where(g0, rui, I0)
  nT0, nI0 = plsc.sort_key_val(v, vi, descending=True)
  nT1, nI1 = plsc.sort_key_val(w, wi, descending=True)
  return nT0, nT1, nI0, nI1


@functools.lru_cache(maxsize=None)
def _make_call(n_pad, rpw, ch):
  nch = rpw // ch
  ngrp = ch // L
  mesh = plsc.VectorSubcoreMesh(core_axis_name="c", subcore_axis_name="s")
  out_type = (
      jax.ShapeDtypeStruct((n_pad * 25,), jnp.float32),
      jax.ShapeDtypeStruct((n_pad * 25,), jnp.int32),
      jax.ShapeDtypeStruct((n_pad * 25,), jnp.int32),
  )
  scratch = [
      pltpu.VMEM((ch * 8,), jnp.float32),
      pltpu.VMEM((ch * 16,), jnp.float32),
      pltpu.VMEM((ch * 25,), jnp.float32),
      pltpu.VMEM((ch * 25,), jnp.int32),
      pltpu.VMEM((ch * 25,), jnp.int32),
  ]

  @functools.partial(pl.kernel, out_type=out_type, mesh=mesh,
                     scratch_types=scratch,
                     compiler_params=pltpu.CompilerParams(
                         needs_layout_passes=False))
  def body(params_hbm, w_hbm, x_hbm, y_hbm, pv, dv, wb, xb, yb):
    wid = lax.axis_index("s") * NC + lax.axis_index("c")
    lanei = lax.iota(jnp.int32, L)
    lanef = lanei.astype(jnp.float32)
    msk9 = lanei < 9

    def chunk_body(c, carry):
      base = wid * rpw + c * ch
      pltpu.sync_copy(params_hbm.at[pl.ds(base * 8, ch * 8)], pv)

      def prep(gi, carry2):
        rows = gi * L + lanei
        rows8 = rows * 8
        rows16 = rows * 16

        def col(j):
          return plsc.load_gather(pv, [rows8 + j])

        mx, my, vx, vy, cr = col(0), col(1), col(2), col(3), col(4)
        prod = vx * vy
        h = plsc.bitcast(
            RSQRT_SEED - lax.shift_right_arithmetic(
                plsc.bitcast(prod, jnp.int32), 1), jnp.float32)
        for _ in range(3):
          h = h * (1.5 - 0.5 * prod * h * h)
        cov = cr * (prod * h)
        det = prod - cov * cov
        rdet = _rcp(det)
        ca = -0.5 * (vy * rdet)
        cb = cov * rdet
        cc = -0.5 * (vx * rdet)
        xi = ((mx + 1.0) / 2.0 * (WW - 1) + MAGIC) - MAGIC
        yi = ((my + 1.0) / 2.0 * (HH - 1) + MAGIC) - MAGIC
        xi = jnp.clip(xi, 12.0, float(WW - 13))
        yi = jnp.clip(yi, 12.0, float(HH - 13))

        def putcol(j, val):
          plsc.store_scatter(dv, [rows16 + j], val)

        putcol(0, xi)
        putcol(1, yi)
        putcol(2, mx)
        putcol(3, my)
        putcol(4, ca)
        putcol(5, cb)
        putcol(6, cc)
        return carry2

      lax.fori_loop(0, ngrp, prep, 0)

      def row_body(r, carry3):
        drow = dv[pl.ds(r * 16, 16)]
        xi = drow[0]
        yi = drow[1]
        mx = drow[2]
        my = drow[3]
        ca = drow[4]
        cb = drow[5]
        cc = drow[6]
        dy0 = (yi + (lanef - 12.0)) * SY - 1.0 - my
        dy1 = (yi + (lanef + 4.0)) * SY - 1.0 - my
        ry0 = cc * dy0 * dy0
        ry1 = cc * dy1 * dy1

        def col_body(i, tk):
          T0, T1, I0, I1, thr = tk
          fi = i.astype(jnp.float32)
          dxi = (xi + (fi - 12.0)) * SX - 1.0 - mx
          p = ca * dxi * dxi
          q = cb * dxi
          s0 = q * dy0 + ry0 + p
          s1 = jnp.where(msk9, q * dy1 + ry1 + p, NEG)
          i0 = i * 25 + lanei
          i1 = i0 + 16

          def do0(a, b, c2, d):
            o0, o1, o2, o3 = _merge32(a, b, c2, d, s0, i0)
            return o0, o1, o2, o3, jnp.min(o1)

          def skip(a, b, c2, d):
            return a, b, c2, d, thr

          T0, T1, I0, I1, thr = lax.cond(
              jnp.any(s0 > thr), do0, skip, T0, T1, I0, I1)

          def do1(a, b, c2, d):
            o0, o1, o2, o3 = _merge32(a, b, c2, d, s1, i1)
            return o0, o1, o2, o3, jnp.min(o1)

          def skip1(a, b, c2, d):
            return a, b, c2, d, thr

          T0, T1, I0, I1, thr = lax.cond(
              jnp.any(s1 > thr), do1, skip1, T0, T1, I0, I1)
          return T0, T1, I0, I1, thr

        init = (jnp.full((L,), NEG), jnp.full((L,), NEG),
                jnp.zeros((L,), jnp.int32), jnp.zeros((L,), jnp.int32),
                NEG)
        T0, T1, I0, I1, _ = lax.fori_loop(0, 25, col_body, init)

        maxv = jnp.max(T0)
        e0 = _exp(T0 - maxv)
        e1 = jnp.where(msk9, _exp(T1 - maxv), 0.0)
        ssum = jnp.sum(e0) + jnp.sum(e1)
        rs = _rcp(jnp.broadcast_to(ssum, (L,)))
        w0 = e0 * rs
        w1 = e1 * rs
        ii0 = I0 // 25
        jj0 = I0 - ii0 * 25
        ii1 = I1 // 25
        jj1 = I1 - ii1 * 25
        xib = xi.astype(jnp.int32) - 12
        yib = yi.astype(jnp.int32) - 12
        off = r * 25 + lanei
        off1 = off + 16
        plsc.store_scatter(wb, [off], w0)
        plsc.store_scatter(wb, [off1], w1, mask=msk9)
        plsc.store_scatter(xb, [off], xib + ii0)
        plsc.store_scatter(xb, [off1], xib + ii1, mask=msk9)
        plsc.store_scatter(yb, [off], yib + jj0)
        plsc.store_scatter(yb, [off1], yib + jj1, mask=msk9)
        return carry3

      lax.fori_loop(0, ch, row_body, 0)
      pltpu.sync_copy(wb, w_hbm.at[pl.ds(base * 25, ch * 25)])
      pltpu.sync_copy(xb, x_hbm.at[pl.ds(base * 25, ch * 25)])
      pltpu.sync_copy(yb, y_hbm.at[pl.ds(base * 25, ch * 25)])
      return carry

    lax.fori_loop(0, nch, chunk_body, 0)

  return body


def kernel(params):
  n = params.shape[0]
  rpw = -(-n // NW)
  rpw = -(-rpw // 32) * 32
  ch = rpw
  while ch * 25 * 4 * 3 + ch * 64 > 400 * 1024 and ch % 32 == 0:
    ch //= 2
  assert ch % L == 0 and rpw % ch == 0
  n_pad = NW * rpw
  pp = jnp.pad(params.astype(jnp.float32), ((0, n_pad - n), (0, 3)))
  if n_pad > n:
    pp = pp.at[n:, 2:4].set(0.01)
  wf, xf, yf = _make_call(n_pad, rpw, ch)(pp.reshape(-1))
  return (wf.reshape(n_pad, 25)[:n],
          xf.reshape(n_pad, 25)[:n],
          yf.reshape(n_pad, 25)[:n])

# --- scband reference (transcript-rebuilt; emitter-appended) ---
"""Pipeline reference for scband-focused-perspective2-bevconverter-84335977824276 (READ-ONLY COPY).

The authoritative reference and input builder live on the scoring server;
editing this copy changes nothing except your own understanding.
"""

import jax, jax.numpy as jnp
import numpy as np

HH, WW = 128, 352
K = 25
N = 50000


def setup_inputs(seed: int = 0) -> dict:
    key = jax.random.key(seed)
    u = jax.random.uniform(key, (N, 5), dtype=jnp.float32)
    mean_x = u[:, 0] * 2.0 - 1.0
    mean_y = u[:, 1] * 2.0 - 1.0
    min_var = 0.5 * 0.0003
    max_var = 0.02
    var_x = u[:, 2] * (max_var - min_var) + min_var
    var_y = u[:, 3] * (max_var - min_var) * (WW / HH) ** 2 + min_var * (WW / HH) ** 2
    corr = u[:, 4] * 1.9 - 0.95
    params = jnp.stack([mean_x, mean_y, var_x, var_y, corr], axis=1)
    return {"params": params}


def _forward(params):
    n = params.shape[0]
    mean_x = params[:, 0]
    mean_y = params[:, 1]
    var_x = params[:, 2]
    var_y = params[:, 3]
    cov_xy = params[:, 4] * jnp.sqrt(var_x) * jnp.sqrt(var_y)
    half = K // 2
    x_index = jnp.round((jax.lax.stop_gradient(mean_x) + 1.0) / 2.0 * (WW - 1))
    y_index = jnp.round((jax.lax.stop_gradient(mean_y) + 1.0) / 2.0 * (HH - 1))
    x_index = jnp.clip(x_index, half, WW - (half + 1))
    y_index = jnp.clip(y_index, half, HH - (half + 1))
    offsets = jnp.arange(-half, half + 1, dtype=params.dtype)
    x_win = x_index[:, None] + offsets[None, :]
    y_win = y_index[:, None] + offsets[None, :]
    x_grid = jnp.broadcast_to(x_win[:, :, None], (n, K, K))
    y_grid = jnp.broadcast_to(y_win[:, None, :], (n, K, K))
    x_coords = x_grid / (WW - 1) * 2.0 - 1.0
    y_coords = y_grid / (HH - 1) * 2.0 - 1.0
    grid_coords = jnp.stack((x_coords, y_coords), axis=-1)
    mu = jnp.stack((mean_x[:, None, None], mean_y[:, None, None]), axis=-1)
    delta = grid_coords - mu
    det = var_x * var_y - cov_xy ** 2
    inv00 = var_y / det
    inv01 = -cov_xy / det
    inv11 = var_x / det
    row0 = jnp.stack([inv00, inv01], axis=-1)
    row1 = jnp.stack([inv01, inv11], axis=-1)
    inv_cov = jnp.stack([row0, row1], axis=-2)
    mahal = jnp.einsum('nija,nab,nijb->nij', delta, inv_cov, delta)
    log_coef = -0.5 * jnp.log(2.0 * jnp.pi) - 0.5 * jnp.log(det)
    log_f = log_coef[:, None, None] - 0.5 * mahal
    log_f_flat = log_f.reshape(n, -1)
    topk_vals, topk_idx = jax.lax.top_k(log_f_flat, K)
    x_flat = x_grid.reshape(n, -1)
    y_flat = y_grid.reshape(n, -1)
    topk_x = jnp.take_along_axis(x_flat, topk_idx, axis=-1)
    topk_y = jnp.take_along_axis(y_flat, topk_idx, axis=-1)
    m = jnp.max(topk_vals, axis=-1, keepdims=True)
    w = jnp.exp(topk_vals - m)
    w = w / jnp.sum(w, axis=-1, keepdims=True)
    return w, topk_x.astype(jnp.int32), topk_y.astype(jnp.int32)


def reference(params):
    return _forward(params)

if __name__ == "__main__":
    import jax
    _d = setup_inputs()
    print(jax.jit(kernel)(*tuple(_d.values())))

</pallas_src>

<mosaic_0001>
#map = affine_map<(d0, d1) -> (0)>
module attributes {stable_mosaic.version = 14 : i64} {
  func.func @body(%arg0: i32, %arg1: i32, %arg2: memref<401408xf32, #tpu.memory_space<hbm>>, %arg3: memref<1254400xf32, #tpu.memory_space<hbm>>, %arg4: memref<1254400xi32, #tpu.memory_space<hbm>>, %arg5: memref<1254400xi32, #tpu.memory_space<hbm>>, %arg6: memref<6272xf32, #tpu.memory_space<vmem>>, %arg7: memref<12544xf32, #tpu.memory_space<vmem>>, %arg8: memref<19600xf32, #tpu.memory_space<vmem>>, %arg9: memref<19600xi32, #tpu.memory_space<vmem>>, %arg10: memref<19600xi32, #tpu.memory_space<vmem>>) attributes {dimension_semantics = [#tpu.dimension_semantics<core_parallel>, #tpu.dimension_semantics<subcore_parallel>], iteration_bounds = array<i64: 2, 16>, scalar_prefetch = 0 : i64, scratch_operands = 5 : i64, tpu.core_type = #tpu.core_type<sc_vector_subcore>, window_params = [{transform_indices = #map}, {transform_indices = #map}, {transform_indices = #map}, {transform_indices = #map}]} {
    %mul3A = arith.constant 2 : i32
    %mul3A_0 = arith.muli %arg1, %mul3A : i32
    %add3A = arith.addi %mul3A_0, %arg0 : i32
    %iota3A = tpu.iota {dimensions = array<i32: 0>} : vector<16xi32>
    %convert_element_type3A = arith.sitofp %iota3A : vector<16xi32> to vector<16xf32>
    %lt3A = arith.constant 9 : i32
    %lt3A_1 = vector.broadcast %lt3A : i32 to vector<16xi32>
    %lt3A_2 = arith.cmpi slt, %iota3A, %lt3A_1 : vector<16xi32>
    %scan3A = arith.constant 0 : i32
    %scan3A_3 = arith.constant 0 : i32
    %scan3A_4 = arith.constant 2 : i32
    %scan3A_5 = arith.addi %scan3A_3, %scan3A_4 : i32
    %scan3A_6 = arith.constant 1 : i32
    scf.for %scan3A_8 = %scan3A_3 to %scan3A_5 step %scan3A_6  : i32 {
      %mul3A_9 = arith.constant 1568 : i32
      %mul3A_10 = arith.muli %add3A, %mul3A_9 : i32
      %mul3A_11 = arith.constant 784 : i32
      %mul3A_12 = arith.muli %scan3A_8, %mul3A_11 : i32
      %add3A_13 = arith.addi %mul3A_10, %mul3A_12 : i32
      %mul3A_14 = arith.constant 8 : i32
      %mul3A_15 = arith.muli %add3A_13, %mul3A_14 : i32
      "tpu.region"() ({
        %run_scoped3A = tpu.sem_alloc : memref<!tpu.dma_semaphore, #tpu.memory_space<semaphore_mem>>
        %dma_start3A = tpu.memref_slice %arg2[%mul3A_15] : memref<401408xf32, #tpu.memory_space<hbm>> -> memref<6272xf32, #tpu.memory_space<hbm>>
        %dma_start3A_34 = tpu.memref_slice %arg2[%mul3A_15] : memref<401408xf32, #tpu.memory_space<hbm>> -> memref<6272xf32, #tpu.memory_space<hbm>>
        tpu.enqueue_dma source(%dma_start3A_34 : memref<6272xf32, #tpu.memory_space<hbm>>) target(%arg6 : memref<6272xf32, #tpu.memory_space<vmem>>) target_semaphore(%run_scoped3A : memref<!tpu.dma_semaphore, #tpu.memory_space<semaphore_mem>>)
        %dma_wait3A = tpu.memref_slice %arg2[%mul3A_15] : memref<401408xf32, #tpu.memory_space<hbm>> -> memref<6272xf32, #tpu.memory_space<hbm>>
        %dma_wait3A_35 = tpu.memref_slice %arg2[%mul3A_15] : memref<401408xf32, #tpu.memory_space<hbm>> -> memref<6272xf32, #tpu.memory_space<hbm>>
        tpu.wait_dma2 semaphore(%run_scoped3A : memref<!tpu.dma_semaphore, #tpu.memory_space<semaphore_mem>>) src(%dma_wait3A_35 : memref<6272xf32, #tpu.memory_space<hbm>>) dst(%arg6 : memref<6272xf32, #tpu.memory_space<vmem>>)
        tpu.yield
      }) : () -> ()
      %scan3A_16 = arith.constant 0 : i32
      %scan3A_17 = arith.constant 0 : i32
      %scan3A_18 = arith.constant 49 : i32
      %scan3A_19 = arith.addi %scan3A_17, %scan3A_18 : i32
      %scan3A_20 = arith.constant 1 : i32
      scf.for %scan3A_34 = %scan3A_17 to %scan3A_19 step %scan3A_20  : i32 {
        %mul3A_35 = arith.constant 16 : i32
        %mul3A_36 = arith.muli %scan3A_34, %mul3A_35 : i32
        %add3A_37 = vector.broadcast %mul3A_36 : i32 to vector<16xi32>
        %add3A_38 = arith.addi %add3A_37, %iota3A : vector<16xi32>
        %mul3A_39 = arith.constant 8 : i32
        %mul3A_40 = vector.broadcast %mul3A_39 : i32 to vector<16xi32>
        %mul3A_41 = arith.muli %add3A_38, %mul3A_40 : vector<16xi32>
        %mul3A_42 = arith.constant 16 : i32
        %mul3A_43 = vector.broadcast %mul3A_42 : i32 to vector<16xi32>
        %mul3A_44 = arith.muli %add3A_38, %mul3A_43 : vector<16xi32>
        %add3A_45 = arith.constant 0 : i32
        %add3A_46 = vector.broadcast %add3A_45 : i32 to vector<16xi32>
        %add3A_47 = arith.addi %mul3A_41, %add3A_46 : vector<16xi32>
        %gather3A = tpu.vector_load_idx %arg6[%add3A_47] : memref<6272xf32, #tpu.memory_space<vmem>>[vector<16xi32>], vector<16xf32>,
        %add3A_48 = arith.constant 1 : i32
        %add3A_49 = vector.broadcast %add3A_48 : i32 to vector<16xi32>
        %add3A_50 = arith.addi %mul3A_41, %add3A_49 : vector<16xi32>
        %gather3A_51 = tpu.vector_load_idx %arg6[%add3A_50] : memref<6272xf32, #tpu.memory_space<vmem>>[vector<16xi32>], vector<16xf32>,
        %add3A_52 = arith.constant 2 : i32
        %add3A_53 = vector.broadcast %add3A_52 : i32 to vector<16xi32>
        %add3A_54 = arith.addi %mul3A_41, %add3A_53 : vector<16xi32>
        %gather3A_55 = tpu.vector_load_idx %arg6[%add3A_54] : memref<6272xf32, #tpu.memory_space<vmem>>[vector<16xi32>], vector<16xf32>,
        %add3A_56 = arith.constant 3 : i32
        %add3A_57 = vector.broadcast %add3A_56 : i32 to vector<16xi32>
        %add3A_58 = arith.addi %mul3A_41, %add3A_57 : vector<16xi32>
        %gather3A_59 = tpu.vector_load_idx %arg6[%add3A_58] : memref<6272xf32, #tpu.memory_space<vmem>>[vector<16xi32>], vector<16xf32>,
        %add3A_60 = arith.constant 4 : i32
        %add3A_61 = vector.broadcast %add3A_60 : i32 to vector<16xi32>
        %add3A_62 = arith.addi %mul3A_41, %add3A_61 : vector<16xi32>
        %gather3A_63 = tpu.vector_load_idx %arg6[%add3A_62] : memref<6272xf32, #tpu.memory_space<vmem>>[vector<16xi32>], vector<16xf32>,
        %mul3A_64 = arith.mulf %gather3A_55, %gather3A_59 : vector<16xf32>
        %bitcast3A = vector.bitcast %mul3A_64 : vector<16xf32> to vector<16xi32>
        %shift_right_arithmetic3A = arith.constant 1 : i32
        %shift_right_arithmetic3A_65 = vector.broadcast %shift_right_arithmetic3A : i32 to vector<16xi32>
        %shift_right_arithmetic3A_66 = arith.shrsi %bitcast3A, %shift_right_arithmetic3A_65 : vector<16xi32>
        %sub3A = arith.constant 1597463007 : i32
        %sub3A_67 = vector.broadcast %sub3A : i32 to vector<16xi32>
        %sub3A_68 = arith.subi %sub3A_67, %shift_right_arithmetic3A_66 : vector<16xi32>
        %bitcast3A_69 = vector.bitcast %sub3A_68 : vector<16xi32> to vector<16xf32>
        %mul3A_70 = arith.constant 5.000000e-01 : f32
        %mul3A_71 = vector.broadcast %mul3A_70 : f32 to vector<16xf32>
        %mul3A_72 = arith.mulf %mul3A_71, %mul3A_64 : vector<16xf32>
        %mul3A_73 = arith.mulf %mul3A_72, %bitcast3A_69 : vector<16xf32>
        %mul3A_74 = arith.mulf %mul3A_73, %bitcast3A_69 : vector<16xf32>
        %sub3A_75 = arith.constant 1.500000e+00 : f32
        %sub3A_76 = vector.broadcast %sub3A_75 : f32 to vector<16xf32>
        %sub3A_77 = arith.subf %sub3A_76, %mul3A_74 : vector<16xf32>
        %mul3A_78 = arith.mulf %bitcast3A_69, %sub3A_77 : vector<16xf32>
        %mul3A_79 = arith.constant 5.000000e-01 : f32
        %mul3A_80 = vector.broadcast %mul3A_79 : f32 to vector<16xf32>
        %mul3A_81 = arith.mulf %mul3A_80, %mul3A_64 : vector<16xf32>
        %mul3A_82 = arith.mulf %mul3A_81, %mul3A_78 : vector<16xf32>
        %mul3A_83 = arith.mulf %mul3A_82, %mul3A_78 : vector<16xf32>
        %sub3A_84 = arith.constant 1.500000e+00 : f32
        %sub3A_85 = vector.broadcast %sub3A_84 : f32 to vector<16xf32>
        %sub3A_86 = arith.subf %sub3A_85, %mul3A_83 : vector<16xf32>
        %mul3A_87 = arith.mulf %mul3A_78, %sub3A_86 : vector<16xf32>
        %mul3A_88 = arith.constant 5.000000e-01 : f32
        %mul3A_89 = vector.broadcast %mul3A_88 : f32 to vector<16xf32>
        %mul3A_90 = arith.mulf %mul3A_89, %mul3A_64 : vector<16xf32>
        %mul3A_91 = arith.mulf %mul3A_90, %mul3A_87 : vector<16xf32>
        %mul3A_92 = arith.mulf %mul3A_91, %mul3A_87 : vector<16xf32>
        %sub3A_93 = arith.constant 1.500000e+00 : f32
        %sub3A_94 = vector.broadcast %sub3A_93 : f32 to vector<16xf32>
        %sub3A_95 = arith.subf %sub3A_94, %mul3A_92 : vector<16xf32>
        %mul3A_96 = arith.mulf %mul3A_87, %sub3A_95 : vector<16xf32>
        %mul3A_97 = arith.mulf %mul3A_64, %mul3A_96 : vector<16xf32>
        %mul3A_98 = arith.mulf %gather3A_63, %mul3A_97 : vector<16xf32>
        %mul3A_99 = arith.mulf %mul3A_98, %mul3A_98 : vector<16xf32>
        %sub3A_100 = arith.subf %mul3A_64, %mul3A_99 : vector<16xf32>
        %div3A = arith.constant 1.000000e+00 : f32
        %div3A_101 = vector.broadcast %div3A : f32 to vector<16xf32>
        %div3A_102 = arith.divf %div3A_101, %sub3A_100 : vector<16xf32>
        %mul3A_103 = arith.mulf %sub3A_100, %div3A_102 : vector<16xf32>
        %sub3A_104 = arith.constant 2.000000e+00 : f32
        %sub3A_105 = vector.broadcast %sub3A_104 : f32 to vector<16xf32>
        %sub3A_106 = arith.subf %sub3A_105, %mul3A_103 : vector<16xf32>
        %mul3A_107 = arith.mulf %div3A_102, %sub3A_106 : vector<16xf32>
        %mul3A_108 = arith.mulf %sub3A_100, %mul3A_107 : vector<16xf32>
        %sub3A_109 = arith.constant 2.000000e+00 : f32
        %sub3A_110 = vector.broadcast %sub3A_109 : f32 to vector<16xf32>
        %sub3A_111 = arith.subf %sub3A_110, %mul3A_108 : vector<16xf32>
        %mul3A_112 = arith.mulf %mul3A_107, %sub3A_111 : vector<16xf32>
        %mul3A_113 = arith.mulf %gather3A_59, %mul3A_112 : vector<16xf32>
        %mul3A_114 = arith.constant -5.000000e-01 : f32
        %mul3A_115 = vector.broadcast %mul3A_114 : f32 to vector<16xf32>
        %mul3A_116 = arith.mulf %mul3A_115, %mul3A_113 : vector<16xf32>
        %mul3A_117 = arith.mulf %mul3A_98, %mul3A_112 : vector<16xf32>
        %mul3A_118 = arith.mulf %gather3A_55, %mul3A_112 : vector<16xf32>
        %mul3A_119 = arith.constant -5.000000e-01 : f32
        %mul3A_120 = vector.broadcast %mul3A_119 : f32 to vector<16xf32>
        %mul3A_121 = arith.mulf %mul3A_120, %mul3A_118 : vector<16xf32>
        %add3A_122 = arith.constant 1.000000e+00 : f32
        %add3A_123 = vector.broadcast %add3A_122 : f32 to vector<16xf32>
        %add3A_124 = arith.addf %gather3A, %add3A_123 : vector<16xf32>
        %div3A_125 = arith.constant 2.000000e+00 : f32
        %div3A_126 = vector.broadcast %div3A_125 : f32 to vector<16xf32>
        %div3A_127 = arith.divf %add3A_124, %div3A_126 : vector<16xf32>
        %mul3A_128 = arith.constant 3.510000e+02 : f32
        %mul3A_129 = vector.broadcast %mul3A_128 : f32 to vector<16xf32>
        %mul3A_130 = arith.mulf %div3A_127, %mul3A_129 : vector<16xf32>
        %add3A_131 = arith.constant 0x4B400000 : f32
        %add3A_132 = vector.broadcast %add3A_131 : f32 to vector<16xf32>
        %add3A_133 = arith.addf %mul3A_130, %add3A_132 : vector<16xf32>
        %sub3A_134 = arith.constant 0x4B400000 : f32
        %sub3A_135 = vector.broadcast %sub3A_134 : f32 to vector<16xf32>
        %sub3A_136 = arith.subf %add3A_133, %sub3A_135 : vector<16xf32>
        %add3A_137 = arith.constant 1.000000e+00 : f32
        %add3A_138 = vector.broadcast %add3A_137 : f32 to vector<16xf32>
        %add3A_139 = arith.addf %gather3A_51, %add3A_138 : vector<16xf32>
        %div3A_140 = arith.constant 2.000000e+00 : f32
        %div3A_141 = vector.broadcast %div3A_140 : f32 to vector<16xf32>
        %div3A_142 = arith.divf %add3A_139, %div3A_141 : vector<16xf32>
        %mul3A_143 = arith.constant 1.270000e+02 : f32
        %mul3A_144 = vector.broadcast %mul3A_143 : f32 to vector<16xf32>
        %mul3A_145 = arith.mulf %div3A_142, %mul3A_144 : vector<16xf32>
        %add3A_146 = arith.constant 0x4B400000 : f32
        %add3A_147 = vector.broadcast %add3A_146 : f32 to vector<16xf32>
        %add3A_148 = arith.addf %mul3A_145, %add3A_147 : vector<16xf32>
        %sub3A_149 = arith.constant 0x4B400000 : f32
        %sub3A_150 = vector.broadcast %sub3A_149 : f32 to vector<16xf32>
        %sub3A_151 = arith.subf %add3A_148, %sub3A_150 : vector<16xf32>
        %jit3A = arith.constant 1.200000e+01 : f32
        %jit3A_152 = arith.constant 3.390000e+02 : f32
        %max3A = vector.broadcast %jit3A : f32 to vector<16xf32>
        %max3A_153 = arith.maximumf %max3A, %sub3A_136 : vector<16xf32>
        %min3A = vector.broadcast %jit3A_152 : f32 to vector<16xf32>
        %min3A_154 = arith.minimumf %min3A, %max3A_153 : vector<16xf32>
        %jit3A_155 = arith.constant 1.200000e+01 : f32
        %jit3A_156 = arith.constant 1.150000e+02 : f32
        %max3A_157 = vector.broadcast %jit3A_155 : f32 to vector<16xf32>
        %max3A_158 = arith.maximumf %max3A_157, %sub3A_151 : vector<16xf32>
        %min3A_159 = vector.broadcast %jit3A_156 : f32 to vector<16xf32>
        %min3A_160 = arith.minimumf %min3A_159, %max3A_158 : vector<16xf32>
        %add3A_161 = arith.constant 0 : i32
        %add3A_162 = vector.broadcast %add3A_161 : i32 to vector<16xi32>
        %add3A_163 = arith.addi %mul3A_44, %add3A_162 : vector<16xi32>
        tpu.vector_store_idx %arg7[%add3A_163], %min3A_154 : memref<12544xf32, #tpu.memory_space<vmem>>[vector<16xi32>], vector<16xf32>,
        %add3A_164 = arith.constant 1 : i32
        %add3A_165 = vector.broadcast %add3A_164 : i32 to vector<16xi32>
        %add3A_166 = arith.addi %mul3A_44, %add3A_165 : vector<16xi32>
        tpu.vector_store_idx %arg7[%add3A_166], %min3A_160 : memref<12544xf32, #tpu.memory_space<vmem>>[vector<16xi32>], vector<16xf32>,
        %add3A_167 = arith.constant 2 : i32
        %add3A_168 = vector.broadcast %add3A_167 : i32 to vector<16xi32>
        %add3A_169 = arith.addi %mul3A_44, %add3A_168 : vector<16xi32>
        tpu.vector_store_idx %arg7[%add3A_169], %gather3A : memref<12544xf32, #tpu.memory_space<vmem>>[vector<16xi32>], vector<16xf32>,
        %add3A_170 = arith.constant 3 : i32
        %add3A_171 = vector.broadcast %add3A_170 : i32 to vector<16xi32>
        %add3A_172 = arith.addi %mul3A_44, %add3A_171 : vector<16xi32>
        tpu.vector_store_idx %arg7[%add3A_172], %gather3A_51 : memref<12544xf32, #tpu.memory_space<vmem>>[vector<16xi32>], vector<16xf32>,
        %add3A_173 = arith.constant 4 : i32
        %add3A_174 = vector.broadcast %add3A_173 : i32 to vector<16xi32>
        %add3A_175 = arith.addi %mul3A_44, %add3A_174 : vector<16xi32>
        tpu.vector_store_idx %arg7[%add3A_175], %mul3A_116 : memref<12544xf32, #tpu.memory_space<vmem>>[vector<16xi32>], vector<16xf32>,
        %add3A_176 = arith.constant 5 : i32
        %add3A_177 = vector.broadcast %add3A_176 : i32 to vector<16xi32>
        %add3A_178 = arith.addi %mul3A_44, %add3A_177 : vector<16xi32>
        tpu.vector_store_idx %arg7[%add3A_178], %mul3A_117 : memref<12544xf32, #tpu.memory_space<vmem>>[vector<16xi32>], vector<16xf32>,
        %add3A_179 = arith.constant 6 : i32
        %add3A_180 = vector.broadcast %add3A_179 : i32 to vector<16xi32>
        %add3A_181 = arith.addi %mul3A_44, %add3A_180 : vector<16xi32>
        tpu.vector_store_idx %arg7[%add3A_181], %mul3A_121 : memref<12544xf32, #tpu.memory_space<vmem>>[vector<16xi32>], vector<16xf32>,
      }
      %scan3A_21 = arith.constant 49 : i32
      %scan3A_22 = arith.constant 0 : i32
      %scan3A_23 = arith.constant 0 : i32
      %scan3A_24 = arith.constant 784 : i32
      %scan3A_25 = arith.addi %scan3A_23, %scan3A_24 : i32
      %scan3A_26 = arith.constant 1 : i32
      scf.for %scan3A_34 = %scan3A_23 to %scan3A_25 step %scan3A_26  : i32 {
        %mul3A_35 = arith.constant 16 : i32
        %mul3A_36 = arith.muli %scan3A_34, %mul3A_35 : i32
        %get3A = arith.index_cast %mul3A_36 : i32 to index
        %get3A_37 = tpu.vector_load %arg7[%get3A] {strides = array<i32>} : memref<12544xf32, #tpu.memory_space<vmem>>, vector<16xf32>,
        %slice3A = vector.extract_strided_slice %get3A_37 {offsets = [0], sizes = [1], strides = [1]} : vector<16xf32> to vector<1xf32>
        %squeeze3A = vector.extract %slice3A[0] : f32 from vector<1xf32>
        %slice3A_38 = vector.extract_strided_slice %get3A_37 {offsets = [1], sizes = [1], strides = [1]} : vector<16xf32> to vector<1xf32>
        %squeeze3A_39 = vector.extract %slice3A_38[0] : f32 from vector<1xf32>
        %slice3A_40 = vector.extract_strided_slice %get3A_37 {offsets = [2], sizes = [1], strides = [1]} : vector<16xf32> to vector<1xf32>
        %squeeze3A_41 = vector.extract %slice3A_40[0] : f32 from vector<1xf32>
        %slice3A_42 = vector.extract_strided_slice %get3A_37 {offsets = [3], sizes = [1], strides = [1]} : vector<16xf32> to vector<1xf32>
        %squeeze3A_43 = vector.extract %slice3A_42[0] : f32 from vector<1xf32>
        %slice3A_44 = vector.extract_strided_slice %get3A_37 {offsets = [4], sizes = [1], strides = [1]} : vector<16xf32> to vector<1xf32>
        %squeeze3A_45 = vector.extract %slice3A_44[0] : f32 from vector<1xf32>
        %slice3A_46 = vector.extract_strided_slice %get3A_37 {offsets = [5], sizes = [1], strides = [1]} : vector<16xf32> to vector<1xf32>
        %squeeze3A_47 = vector.extract %slice3A_46[0] : f32 from vector<1xf32>
        %slice3A_48 = vector.extract_strided_slice %get3A_37 {offsets = [6], sizes = [1], strides = [1]} : vector<16xf32> to vector<1xf32>
        %squeeze3A_49 = vector.extract %slice3A_48[0] : f32 from vector<1xf32>
        %sub3A = arith.constant 1.200000e+01 : f32
        %sub3A_50 = vector.broadcast %sub3A : f32 to vector<16xf32>
        %sub3A_51 = arith.subf %convert_element_type3A, %sub3A_50 : vector<16xf32>
        %add3A_52 = vector.broadcast %squeeze3A_39 : f32 to vector<16xf32>
        %add3A_53 = arith.addf %add3A_52, %sub3A_51 : vector<16xf32>
        %mul3A_54 = arith.constant 0.0157480314 : f32
        %mul3A_55 = vector.broadcast %mul3A_54 : f32 to vector<16xf32>
        %mul3A_56 = arith.mulf %add3A_53, %mul3A_55 : vector<16xf32>
        %sub3A_57 = arith.constant 1.000000e+00 : f32
        %sub3A_58 = vector.broadcast %sub3A_57 : f32 to vector<16xf32>
        %sub3A_59 = arith.subf %mul3A_56, %sub3A_58 : vector<16xf32>
        %sub3A_60 = vector.broadcast %squeeze3A_43 : f32 to vector<16xf32>
        %sub3A_61 = arith.subf %sub3A_59, %sub3A_60 : vector<16xf32>
        %add3A_62 = arith.constant 4.000000e+00 : f32
        %add3A_63 = vector.broadcast %add3A_62 : f32 to vector<16xf32>
        %add3A_64 = arith.addf %convert_element_type3A, %add3A_63 : vector<16xf32>
        %add3A_65 = vector.broadcast %squeeze3A_39 : f32 to vector<16xf32>
        %add3A_66 = arith.addf %add3A_65, %add3A_64 : vector<16xf32>
        %mul3A_67 = arith.constant 0.0157480314 : f32
        %mul3A_68 = vector.broadcast %mul3A_67 : f32 to vector<16xf32>
        %mul3A_69 = arith.mulf %add3A_66, %mul3A_68 : vector<16xf32>
        %sub3A_70 = arith.constant 1.000000e+00 : f32
        %sub3A_71 = vector.broadcast %sub3A_70 : f32 to vector<16xf32>
        %sub3A_72 = arith.subf %mul3A_69, %sub3A_71 : vector<16xf32>
        %sub3A_73 = vector.broadcast %squeeze3A_43 : f32 to vector<16xf32>
        %sub3A_74 = arith.subf %sub3A_72, %sub3A_73 : vector<16xf32>
        %mul3A_75 = vector.broadcast %squeeze3A_49 : f32 to vector<16xf32>
        %mul3A_76 = arith.mulf %mul3A_75, %sub3A_61 : vector<16xf32>
        %mul3A_77 = arith.mulf %mul3A_76, %sub3A_61 : vector<16xf32>
        %mul3A_78 = vector.broadcast %squeeze3A_49 : f32 to vector<16xf32>
        %mul3A_79 = arith.mulf %mul3A_78, %sub3A_74 : vector<16xf32>
        %mul3A_80 = arith.mulf %mul3A_79, %sub3A_74 : vector<16xf32>
        %broadcast_in_dim3A = arith.constant -1.000000e+30 : f32
        %broadcast_in_dim3A_81 = vector.broadcast %broadcast_in_dim3A : f32 to vector<16xf32>
        %broadcast_in_dim3A_82 = arith.constant -1.000000e+30 : f32
        %broadcast_in_dim3A_83 = vector.broadcast %broadcast_in_dim3A_82 : f32 to vector<16xf32>
        %broadcast_in_dim3A_84 = arith.constant 0 : i32
        %broadcast_in_dim3A_85 = vector.broadcast %broadcast_in_dim3A_84 : i32 to vector<16xi32>
        %broadcast_in_dim3A_86 = arith.constant 0 : i32
        %broadcast_in_dim3A_87 = vector.broadcast %broadcast_in_dim3A_86 : i32 to vector<16xi32>
        %scan3A_88 = arith.constant -1.000000e+30 : f32
        %scan3A_89 = arith.constant 0 : i32
        %scan3A_90 = arith.constant 25 : i32
        %scan3A_91 = arith.addi %scan3A_89, %scan3A_90 : i32
        %scan3A_92 = arith.constant 1 : i32
        %scan3A_93:5 = scf.for %scan3A_298 = %scan3A_89 to %scan3A_91 step %scan3A_92 iter_args(%scan3A_299 = %broadcast_in_dim3A_81, %scan3A_300 = %broadcast_in_dim3A_83, %scan3A_301 = %broadcast_in_dim3A_85, %scan3A_302 = %broadcast_in_dim3A_87, %scan3A_303 = %scan3A_88) -> (vector<16xf32>, vector<16xf32>, vector<16xi32>, vector<16xi32>, f32)  : i32 {
          %convert_element_type3A_304 = arith.sitofp %scan3A_298 : i32 to f32
          %sub3A_305 = arith.constant 1.200000e+01 : f32
          %sub3A_306 = arith.subf %convert_element_type3A_304, %sub3A_305 : f32
          %add3A_307 = arith.addf %squeeze3A, %sub3A_306 : f32
          %mul3A_308 = arith.constant 0.00569800567 : f32
          %mul3A_309 = arith.mulf %add3A_307, %mul3A_308 : f32
          %sub3A_310 = arith.constant 1.000000e+00 : f32
          %sub3A_311 = arith.subf %mul3A_309, %sub3A_310 : f32
          %sub3A_312 = arith.subf %sub3A_311, %squeeze3A_41 : f32
          %mul3A_313 = arith.mulf %squeeze3A_45, %sub3A_312 : f32
          %mul3A_314 = arith.mulf %mul3A_313, %sub3A_312 : f32
          %mul3A_315 = arith.mulf %squeeze3A_47, %sub3A_312 : f32
          %mul3A_316 = vector.broadcast %mul3A_315 : f32 to vector<16xf32>
          %mul3A_317 = arith.mulf %mul3A_316, %sub3A_61 : vector<16xf32>
          %add3A_318 = arith.addf %mul3A_317, %mul3A_77 : vector<16xf32>
          %add3A_319 = vector.broadcast %mul3A_314 : f32 to vector<16xf32>
          %add3A_320 = arith.addf %add3A_318, %add3A_319 : vector<16xf32>
          %mul3A_321 = vector.broadcast %mul3A_315 : f32 to vector<16xf32>
          %mul3A_322 = arith.mulf %mul3A_321, %sub3A_74 : vector<16xf32>
          %add3A_323 = arith.addf %mul3A_322, %mul3A_80 : vector<16xf32>
          %add3A_324 = vector.broadcast %mul3A_314 : f32 to vector<16xf32>
          %add3A_325 = arith.addf %add3A_323, %add3A_324 : vector<16xf32>
          %jit3A_326 = arith.constant -1.000000e+30 : f32
          %broadcast_in_dim3A_327 = vector.broadcast %jit3A_326 : f32 to vector<16xf32>
          %select_n3A_328 = arith.select %lt3A_2, %add3A_325, %broadcast_in_dim3A_327 : vector<16xi1>, vector<16xf32>
          %mul3A_329 = arith.constant 25 : i32
          %mul3A_330 = arith.muli %scan3A_298, %mul3A_329 : i32
          %add3A_331 = vector.broadcast %mul3A_330 : i32 to vector<16xi32>
          %add3A_332 = arith.addi %add3A_331, %iota3A : vector<16xi32>
          %add3A_333 = arith.constant 16 : i32
          %add3A_334 = vector.broadcast %add3A_333 : i32 to vector<16xi32>
          %add3A_335 = arith.addi %add3A_332, %add3A_334 : vector<16xi32>
          %gt3A = vector.broadcast %scan3A_303 : f32 to vector<16xf32>
          %gt3A_336 = arith.cmpf ogt, %add3A_320, %gt3A : vector<16xf32>
          %reduce_or3A = arith.constant 1.000000e+00 : f32
          %reduce_or3A_337 = arith.constant 0.000000e+00 : f32
          %reduce_or3A_338 = vector.broadcast %reduce_or3A : f32 to vector<16xf32>
          %reduce_or3A_339 = vector.broadcast %reduce_or3A_337 : f32 to vector<16xf32>
          %reduce_or3A_340 = arith.select %gt3A_336, %reduce_or3A_338, %reduce_or3A_339 : vector<16xi1>, vector<16xf32>
          %reduce_or3A_341 = arith.constant true
          %reduce_or3A_342 = vector.broadcast %reduce_or3A_341 : i1 to vector<16xi1>
          %reduce_or3A_343 = tpu.scan <max>, %reduce_or3A_340 masked %reduce_or3A_342 : vector<16xf32>, vector<16xi1> -> vector<16xf32>
          %reduce_or3A_344 = vector.extract %reduce_or3A_343[15] : f32 from vector<16xf32>
          %reduce_or3A_345 = arith.constant 0.000000e+00 : f32
          %reduce_or3A_346 = arith.cmpf ogt, %reduce_or3A_344, %reduce_or3A_345 : f32
          %convert_element_type3A_347 = arith.extui %reduce_or3A_346 : i1 to i32
          %cond3A = arith.constant 0 : i32
          %cond3A_348 = arith.cmpi ne, %convert_element_type3A_347, %cond3A : i32
          %cond3A_349:5 = scf.if %cond3A_348 -> (vector<16xf32>, vector<16xf32>, vector<16xi32>, vector<16xi32>, f32) {
            %masked_sort3A = arith.constant dense<true> : vector<16xi1>
            %masked_sort3A_367, %masked_sort3A_368, %masked_sort3A_369 = tpu.sort %add3A_320, %add3A_332 masked %masked_sort3A {descending = true} : (vector<16xf32>, vector<16xi32>, vector<16xi1>) -> (vector<16xi1>, vector<16xf32>, vector<16xi32>)
            %rev3A = arith.constant 15 : i32
            %rev3A_370 = vector.broadcast %rev3A : i32 to vector<16xi32>
            %rev3A_371 = tpu.iota {dimensions = array<i32: 0>} : vector<16xi32>
            %rev3A_372 = arith.subi %rev3A_370, %rev3A_371 : vector<16xi32>
            %rev3A_373 = tpu.dynamic_gather %masked_sort3A_368[%rev3A_372] in [0] : vector<16xf32>, vector<16xi32> -> vector<16xf32>
            %rev3A_374 = arith.constant 15 : i32
            %rev3A_375 = vector.broadcast %rev3A_374 : i32 to vector<16xi32>
            %rev3A_376 = tpu.iota {dimensions = array<i32: 0>} : vector<16xi32>
            %rev3A_377 = arith.subi %rev3A_375, %rev3A_376 : vector<16xi32>
            %rev3A_378 = tpu.dynamic_gather %masked_sort3A_369[%rev3A_377] in [0] : vector<16xi32>, vector<16xi32> -> vector<16xi32>
            %ge3A = arith.cmpf oge, %scan3A_300, %rev3A_373 : vector<16xf32>
            %select_n3A_379 = arith.select %ge3A, %scan3A_300, %rev3A_373 : vector<16xi1>, vector<16xf32>
            %select_n3A_380 = arith.select %ge3A, %scan3A_302, %rev3A_378 : vector<16xi1>, vector<16xi32>
            %masked_sort3A_381 = arith.constant dense<true> : vector<16xi1>
            %masked_sort3A_382, %masked_sort3A_383, %masked_sort3A_384 = tpu.sort %select_n3A_379, %select_n3A_380 masked %masked_sort3A_381 {descending = true} : (vector<16xf32>, vector<16xi32>, vector<16xi1>) -> (vector<16xi1>, vector<16xf32>, vector<16xi32>)
            %rev3A_385 = arith.constant 15 : i32
            %rev3A_386 = vector.broadcast %rev3A_385 : i32 to vector<16xi32>
            %rev3A_387 = tpu.iota {dimensions = array<i32: 0>} : vector<16xi32>
            %rev3A_388 = arith.subi %rev3A_386, %rev3A_387 : vector<16xi32>
            %rev3A_389 = tpu.dynamic_gather %masked_sort3A_383[%rev3A_388] in [0] : vector<16xf32>, vector<16xi32> -> vector<16xf32>
            %rev3A_390 = arith.constant 15 : i32
            %rev3A_391 = vector.broadcast %rev3A_390 : i32 to vector<16xi32>
            %rev3A_392 = tpu.iota {dimensions = array<i32: 0>} : vector<16xi32>
            %rev3A_393 = arith.subi %rev3A_391, %rev3A_392 : vector<16xi32>
            %rev3A_394 = tpu.dynamic_gather %masked_sort3A_384[%rev3A_393] in [0] : vector<16xi32>, vector<16xi32> -> vector<16xi32>
            %ge3A_395 = arith.cmpf oge, %scan3A_299, %rev3A_389 : vector<16xf32>
            %select_n3A_396 = arith.select %ge3A_395, %scan3A_299, %rev3A_389 : vector<16xi1>, vector<16xf32>
            %select_n3A_397 = arith.select %ge3A_395, %scan3A_301, %rev3A_394 : vector<16xi1>, vector<16xi32>
            %select_n3A_398 = arith.select %ge3A_395, %rev3A_389, %scan3A_299 : vector<16xi1>, vector<16xf32>
            %select_n3A_399 = arith.select %ge3A_395, %rev3A_394, %scan3A_301 : vector<16xi1>, vector<16xi32>
            %masked_sort3A_400 = arith.constant dense<true> : vector<16xi1>
            %masked_sort3A_401, %masked_sort3A_402, %masked_sort3A_403 = tpu.sort %select_n3A_396, %select_n3A_397 masked %masked_sort3A_400 {descending = true} : (vector<16xf32>, vector<16xi32>, vector<16xi1>) -> (vector<16xi1>, vector<16xf32>, vector<16xi32>)
            %masked_sort3A_404 = arith.constant dense<true> : vector<16xi1>
            %masked_sort3A_405, %masked_sort3A_406, %masked_sort3A_407 = tpu.sort %select_n3A_398, %select_n3A_399 masked %masked_sort3A_404 {descending = true} : (vector<16xf32>, vector<16xi32>, vector<16xi1>) -> (vector<16xi1>, vector<16xf32>, vector<16xi32>)
            %reduce_min3A = arith.constant true
            %reduce_min3A_408 = vector.broadcast %reduce_min3A : i1 to vector<16xi1>
            %reduce_min3A_409 = tpu.scan <min>, %masked_sort3A_406 masked %reduce_min3A_408 : vector<16xf32>, vector<16xi1> -> vector<16xf32>
            %reduce_min3A_410 = vector.extract %reduce_min3A_409[15] : f32 from vector<16xf32>
            scf.yield %masked_sort3A_402, %masked_sort3A_406, %masked_sort3A_403, %masked_sort3A_407, %reduce_min3A_410 : vector<16xf32>, vector<16xf32>, vector<16xi32>, vector<16xi32>, f32
          } else {
            scf.yield %scan3A_299, %scan3A_300, %scan3A_301, %scan3A_302, %scan3A_303 : vector<16xf32>, vector<16xf32>, vector<16xi32>, vector<16xi32>, f32
          }
          %gt3A_350 = vector.broadcast %cond3A_349#4 : f32 to vector<16xf32>
          %gt3A_351 = arith.cmpf ogt, %select_n3A_328, %gt3A_350 : vector<16xf32>
          %reduce_or3A_352 = arith.constant 1.000000e+00 : f32
          %reduce_or3A_353 = arith.constant 0.000000e+00 : f32
          %reduce_or3A_354 = vector.broadcast %reduce_or3A_352 : f32 to vector<16xf32>
          %reduce_or3A_355 = vector.broadcast %reduce_or3A_353 : f32 to vector<16xf32>
          %reduce_or3A_356 = arith.select %gt3A_351, %reduce_or3A_354, %reduce_or3A_355 : vector<16xi1>, vector<16xf32>
          %reduce_or3A_357 = arith.constant true
          %reduce_or3A_358 = vector.broadcast %reduce_or3A_357 : i1 to vector<16xi1>
          %reduce_or3A_359 = tpu.scan <max>, %reduce_or3A_356 masked %reduce_or3A_358 : vector<16xf32>, vector<16xi1> -> vector<16xf32>
          %reduce_or3A_360 = vector.extract %reduce_or3A_359[15] : f32 from vector<16xf32>
          %reduce_or3A_361 = arith.constant 0.000000e+00 : f32
          %reduce_or3A_362 = arith.cmpf ogt, %reduce_or3A_360, %reduce_or3A_361 : f32
          %convert_element_type3A_363 = arith.extui %reduce_or3A_362 : i1 to i32
          %cond3A_364 = arith.constant 0 : i32
          %cond3A_365 = arith.cmpi ne, %convert_element_type3A_363, %cond3A_364 : i32
          %cond3A_366:5 = scf.if %cond3A_365 -> (vector<16xf32>, vector<16xf32>, vector<16xi32>, vector<16xi32>, f32) {
            %masked_sort3A = arith.constant dense<true> : vector<16xi1>
            %masked_sort3A_367, %masked_sort3A_368, %masked_sort3A_369 = tpu.sort %select_n3A_328, %add3A_335 masked %masked_sort3A {descending = true} : (vector<16xf32>, vector<16xi32>, vector<16xi1>) -> (vector<16xi1>, vector<16xf32>, vector<16xi32>)
            %rev3A = arith.constant 15 : i32
            %rev3A_370 = vector.broadcast %rev3A : i32 to vector<16xi32>
            %rev3A_371 = tpu.iota {dimensions = array<i32: 0>} : vector<16xi32>
            %rev3A_372 = arith.subi %rev3A_370, %rev3A_371 : vector<16xi32>
            %rev3A_373 = tpu.dynamic_gather %masked_sort3A_368[%rev3A_372] in [0] : vector<16xf32>, vector<16xi32> -> vector<16xf32>
            %rev3A_374 = arith.constant 15 : i32
            %rev3A_375 = vector.broadcast %rev3A_374 : i32 to vector<16xi32>
            %rev3A_376 = tpu.iota {dimensions = array<i32: 0>} : vector<16xi32>
            %rev3A_377 = arith.subi %rev3A_375, %rev3A_376 : vector<16xi32>
            %rev3A_378 = tpu.dynamic_gather %masked_sort3A_369[%rev3A_377] in [0] : vector<16xi32>, vector<16xi32> -> vector<16xi32>
            %ge3A = arith.cmpf oge, %cond3A_349#1, %rev3A_373 : vector<16xf32>
            %select_n3A_379 = arith.select %ge3A, %cond3A_349#1, %rev3A_373 : vector<16xi1>, vector<16xf32>
            %select_n3A_380 = arith.select %ge3A, %cond3A_349#3, %rev3A_378 : vector<16xi1>, vector<16xi32>
            %masked_sort3A_381 = arith.constant dense<true> : vector<16xi1>
            %masked_sort3A_382, %masked_sort3A_383, %masked_sort3A_384 = tpu.sort %select_n3A_379, %select_n3A_380 masked %masked_sort3A_381 {descending = true} : (vector<16xf32>, vector<16xi32>, vector<16xi1>) -> (vector<16xi1>, vector<16xf32>, vector<16xi32>)
            %rev3A_385 = arith.constant 15 : i32
            %rev3A_386 = vector.broadcast %rev3A_385 : i32 to vector<16xi32>
            %rev3A_387 = tpu.iota {dimensions = array<i32: 0>} : vector<16xi32>
            %rev3A_388 = arith.subi %rev3A_386, %rev3A_387 : vector<16xi32>
            %rev3A_389 = tpu.dynamic_gather %masked_sort3A_383[%rev3A_388] in [0] : vector<16xf32>, vector<16xi32> -> vector<16xf32>
            %rev3A_390 = arith.constant 15 : i32
            %rev3A_391 = vector.broadcast %rev3A_390 : i32 to vector<16xi32>
            %rev3A_392 = tpu.iota {dimensions = array<i32: 0>} : vector<16xi32>
            %rev3A_393 = arith.subi %rev3A_391, %rev3A_392 : vector<16xi32>
            %rev3A_394 = tpu.dynamic_gather %masked_sort3A_384[%rev3A_393] in [0] : vector<16xi32>, vector<16xi32> -> vector<16xi32>
            %ge3A_395 = arith.cmpf oge, %cond3A_349#0, %rev3A_389 : vector<16xf32>
            %select_n3A_396 = arith.select %ge3A_395, %cond3A_349#0, %rev3A_389 : vector<16xi1>, vector<16xf32>
            %select_n3A_397 = arith.select %ge3A_395, %cond3A_349#2, %rev3A_394 : vector<16xi1>, vector<16xi32>
            %select_n3A_398 = arith.select %ge3A_395, %rev3A_389, %cond3A_349#0 : vector<16xi1>, vector<16xf32>
            %select_n3A_399 = arith.select %ge3A_395, %rev3A_394, %cond3A_349#2 : vector<16xi1>, vector<16xi32>
            %masked_sort3A_400 = arith.constant dense<true> : vector<16xi1>
            %masked_sort3A_401, %masked_sort3A_402, %masked_sort3A_403 = tpu.sort %select_n3A_396, %select_n3A_397 masked %masked_sort3A_400 {descending = true} : (vector<16xf32>, vector<16xi32>, vector<16xi1>) -> (vector<16xi1>, vector<16xf32>, vector<16xi32>)
            %masked_sort3A_404 = arith.constant dense<true> : vector<16xi1>
            %masked_sort3A_405, %masked_sort3A_406, %masked_sort3A_407 = tpu.sort %select_n3A_398, %select_n3A_399 masked %masked_sort3A_404 {descending = true} : (vector<16xf32>, vector<16xi32>, vector<16xi1>) -> (vector<16xi1>, vector<16xf32>, vector<16xi32>)
            %reduce_min3A = arith.constant true
            %reduce_min3A_408 = vector.broadcast %reduce_min3A : i1 to vector<16xi1>
            %reduce_min3A_409 = tpu.scan <min>, %masked_sort3A_406 masked %reduce_min3A_408 : vector<16xf32>, vector<16xi1> -> vector<16xf32>
            %reduce_min3A_410 = vector.extract %reduce_min3A_409[15] : f32 from vector<16xf32>
            scf.yield %masked_sort3A_402, %masked_sort3A_406, %masked_sort3A_403, %masked_sort3A_407, %reduce_min3A_410 : vector<16xf32>, vector<16xf32>, vector<16xi32>, vector<16xi32>, f32
          } else {
            scf.yield %cond3A_349#0, %cond3A_349#1, %cond3A_349#2, %cond3A_349#3, %cond3A_349#4 : vector<16xf32>, vector<16xf32>, vector<16xi32>, vector<16xi32>, f32
          }
          scf.yield %cond3A_366#0, %cond3A_366#1, %cond3A_366#2, %cond3A_366#3, %cond3A_366#4 : vector<16xf32>, vector<16xf32>, vector<16xi32>, vector<16xi32>, f32
        }
        %scan3A_94 = arith.constant 25 : i32
        %reduce_max3A = arith.constant true
        %reduce_max3A_95 = vector.broadcast %reduce_max3A : i1 to vector<16xi1>
        %reduce_max3A_96 = tpu.scan <max>, %scan3A_93#0 masked %reduce_max3A_95 : vector<16xf32>, vector<16xi1> -> vector<16xf32>
        %reduce_max3A_97 = vector.extract %reduce_max3A_96[15] : f32 from vector<16xf32>
        %sub3A_98 = vector.broadcast %reduce_max3A_97 : f32 to vector<16xf32>
        %sub3A_99 = arith.subf %scan3A_93#0, %sub3A_98 : vector<16xf32>
        %mul3A_100 = arith.constant 1.44269502 : f32
        %mul3A_101 = vector.broadcast %mul3A_100 : f32 to vector<16xf32>
        %mul3A_102 = arith.mulf %sub3A_99, %mul3A_101 : vector<16xf32>
        %max3A = arith.constant -1.260000e+02 : f32
        %max3A_103 = vector.broadcast %max3A : f32 to vector<16xf32>
        %max3A_104 = arith.maximumf %mul3A_102, %max3A_103 : vector<16xf32>
        %add3A_105 = arith.constant 0x4B400000 : f32
        %add3A_106 = vector.broadcast %add3A_105 : f32 to vector<16xf32>
        %add3A_107 = arith.addf %max3A_104, %add3A_106 : vector<16xf32>
        %sub3A_108 = arith.constant 0x4B400000 : f32
        %sub3A_109 = vector.broadcast %sub3A_108 : f32 to vector<16xf32>
        %sub3A_110 = arith.subf %add3A_107, %sub3A_109 : vector<16xf32>
        %sub3A_111 = arith.subf %max3A_104, %sub3A_110 : vector<16xf32>
        %mul3A_112 = arith.constant 0.00132609147 : f32
        %mul3A_113 = vector.broadcast %mul3A_112 : f32 to vector<16xf32>
        %mul3A_114 = arith.mulf %mul3A_113, %sub3A_111 : vector<16xf32>
        %add3A_115 = arith.constant 9.670180e-03 : f32
        %add3A_116 = vector.broadcast %add3A_115 : f32 to vector<16xf32>
        %add3A_117 = arith.addf %mul3A_114, %add3A_116 : vector<16xf32>
        %mul3A_118 = arith.mulf %add3A_117, %sub3A_111 : vector<16xf32>
        %add3A_119 = arith.constant 0.0555071235 : f32
        %add3A_120 = vector.broadcast %add3A_119 : f32 to vector<16xf32>
        %add3A_121 = arith.addf %mul3A_118, %add3A_120 : vector<16xf32>
        %mul3A_122 = arith.mulf %add3A_121, %sub3A_111 : vector<16xf32>
        %add3A_123 = arith.constant 0.240222245 : f32
        %add3A_124 = vector.broadcast %add3A_123 : f32 to vector<16xf32>
        %add3A_125 = arith.addf %mul3A_122, %add3A_124 : vector<16xf32>
        %mul3A_126 = arith.mulf %add3A_125, %sub3A_111 : vector<16xf32>
        %add3A_127 = arith.constant 6.931470e-01 : f32
        %add3A_128 = vector.broadcast %add3A_127 : f32 to vector<16xf32>
        %add3A_129 = arith.addf %mul3A_126, %add3A_128 : vector<16xf32>
        %mul3A_130 = arith.mulf %add3A_129, %sub3A_111 : vector<16xf32>
        %add3A_131 = arith.constant 1.000000e+00 : f32
        %add3A_132 = vector.broadcast %add3A_131 : f32 to vector<16xf32>
        %add3A_133 = arith.addf %mul3A_130, %add3A_132 : vector<16xf32>
        %convert_element_type3A_134 = arith.fptosi %sub3A_110 : vector<16xf32> to vector<16xi32>
        %add3A_135 = arith.constant 127 : i32
        %add3A_136 = vector.broadcast %add3A_135 : i32 to vector<16xi32>
        %add3A_137 = arith.addi %convert_element_type3A_134, %add3A_136 : vector<16xi32>
        %shift_left3A = arith.constant 23 : i32
        %shift_left3A_138 = vector.broadcast %shift_left3A : i32 to vector<16xi32>
        %shift_left3A_139 = arith.shli %add3A_137, %shift_left3A_138 : vector<16xi32>
        %bitcast3A = vector.bitcast %shift_left3A_139 : vector<16xi32> to vector<16xf32>
        %mul3A_140 = arith.mulf %add3A_133, %bitcast3A : vector<16xf32>
        %sub3A_141 = vector.broadcast %reduce_max3A_97 : f32 to vector<16xf32>
        %sub3A_142 = arith.subf %scan3A_93#1, %sub3A_141 : vector<16xf32>
        %mul3A_143 = arith.constant 1.44269502 : f32
        %mul3A_144 = vector.broadcast %mul3A_143 : f32 to vector<16xf32>
        %mul3A_145 = arith.mulf %sub3A_142, %mul3A_144 : vector<16xf32>
        %max3A_146 = arith.constant -1.260000e+02 : f32
        %max3A_147 = vector.broadcast %max3A_146 : f32 to vector<16xf32>
        %max3A_148 = arith.maximumf %mul3A_145, %max3A_147 : vector<16xf32>
        %add3A_149 = arith.constant 0x4B400000 : f32
        %add3A_150 = vector.broadcast %add3A_149 : f32 to vector<16xf32>
        %add3A_151 = arith.addf %max3A_148, %add3A_150 : vector<16xf32>
        %sub3A_152 = arith.constant 0x4B400000 : f32
        %sub3A_153 = vector.broadcast %sub3A_152 : f32 to vector<16xf32>
        %sub3A_154 = arith.subf %add3A_151, %sub3A_153 : vector<16xf32>
        %sub3A_155 = arith.subf %max3A_148, %sub3A_154 : vector<16xf32>
        %mul3A_156 = arith.constant 0.00132609147 : f32
        %mul3A_157 = vector.broadcast %mul3A_156 : f32 to vector<16xf32>
        %mul3A_158 = arith.mulf %mul3A_157, %sub3A_155 : vector<16xf32>
        %add3A_159 = arith.constant 9.670180e-03 : f32
        %add3A_160 = vector.broadcast %add3A_159 : f32 to vector<16xf32>
        %add3A_161 = arith.addf %mul3A_158, %add3A_160 : vector<16xf32>
        %mul3A_162 = arith.mulf %add3A_161, %sub3A_155 : vector<16xf32>
        %add3A_163 = arith.constant 0.0555071235 : f32
        %add3A_164 = vector.broadcast %add3A_163 : f32 to vector<16xf32>
        %add3A_165 = arith.addf %mul3A_162, %add3A_164 : vector<16xf32>
        %mul3A_166 = arith.mulf %add3A_165, %sub3A_155 : vector<16xf32>
        %add3A_167 = arith.constant 0.240222245 : f32
        %add3A_168 = vector.broadcast %add3A_167 : f32 to vector<16xf32>
        %add3A_169 = arith.addf %mul3A_166, %add3A_168 : vector<16xf32>
        %mul3A_170 = arith.mulf %add3A_169, %sub3A_155 : vector<16xf32>
        %add3A_171 = arith.constant 6.931470e-01 : f32
        %add3A_172 = vector.broadcast %add3A_171 : f32 to vector<16xf32>
        %add3A_173 = arith.addf %mul3A_170, %add3A_172 : vector<16xf32>
        %mul3A_174 = arith.mulf %add3A_173, %sub3A_155 : vector<16xf32>
        %add3A_175 = arith.constant 1.000000e+00 : f32
        %add3A_176 = vector.broadcast %add3A_175 : f32 to vector<16xf32>
        %add3A_177 = arith.addf %mul3A_174, %add3A_176 : vector<16xf32>
        %convert_element_type3A_178 = arith.fptosi %sub3A_154 : vector<16xf32> to vector<16xi32>
        %add3A_179 = arith.constant 127 : i32
        %add3A_180 = vector.broadcast %add3A_179 : i32 to vector<16xi32>
        %add3A_181 = arith.addi %convert_element_type3A_178, %add3A_180 : vector<16xi32>
        %shift_left3A_182 = arith.constant 23 : i32
        %shift_left3A_183 = vector.broadcast %shift_left3A_182 : i32 to vector<16xi32>
        %shift_left3A_184 = arith.shli %add3A_181, %shift_left3A_183 : vector<16xi32>
        %bitcast3A_185 = vector.bitcast %shift_left3A_184 : vector<16xi32> to vector<16xf32>
        %mul3A_186 = arith.mulf %add3A_177, %bitcast3A_185 : vector<16xf32>
        %jit3A = arith.constant 0.000000e+00 : f32
        %broadcast_in_dim3A_187 = vector.broadcast %jit3A : f32 to vector<16xf32>
        %select_n3A = arith.select %lt3A_2, %mul3A_186, %broadcast_in_dim3A_187 : vector<16xi1>, vector<16xf32>
        %reduce_sum3A = arith.constant true
        %reduce_sum3A_188 = vector.broadcast %reduce_sum3A : i1 to vector<16xi1>
        %reduce_sum3A_189 = tpu.scan <sum>, %mul3A_140 masked %reduce_sum3A_188 : vector<16xf32>, vector<16xi1> -> vector<16xf32>
        %reduce_sum3A_190 = vector.extract %reduce_sum3A_189[15] : f32 from vector<16xf32>
        %reduce_sum3A_191 = arith.constant true
        %reduce_sum3A_192 = vector.broadcast %reduce_sum3A_191 : i1 to vector<16xi1>
        %reduce_sum3A_193 = tpu.scan <sum>, %select_n3A masked %reduce_sum3A_192 : vector<16xf32>, vector<16xi1> -> vector<16xf32>
        %reduce_sum3A_194 = vector.extract %reduce_sum3A_193[15] : f32 from vector<16xf32>
        %add3A_195 = arith.addf %reduce_sum3A_190, %reduce_sum3A_194 : f32
        %broadcast_in_dim3A_196 = vector.broadcast %add3A_195 : f32 to vector<16xf32>
        %div3A = arith.constant 1.000000e+00 : f32
        %div3A_197 = vector.broadcast %div3A : f32 to vector<16xf32>
        %div3A_198 = arith.divf %div3A_197, %broadcast_in_dim3A_196 : vector<16xf32>
        %mul3A_199 = arith.mulf %broadcast_in_dim3A_196, %div3A_198 : vector<16xf32>
        %sub3A_200 = arith.constant 2.000000e+00 : f32
        %sub3A_201 = vector.broadcast %sub3A_200 : f32 to vector<16xf32>
        %sub3A_202 = arith.subf %sub3A_201, %mul3A_199 : vector<16xf32>
        %mul3A_203 = arith.mulf %div3A_198, %sub3A_202 : vector<16xf32>
        %mul3A_204 = arith.mulf %broadcast_in_dim3A_196, %mul3A_203 : vector<16xf32>
        %sub3A_205 = arith.constant 2.000000e+00 : f32
        %sub3A_206 = vector.broadcast %sub3A_205 : f32 to vector<16xf32>
        %sub3A_207 = arith.subf %sub3A_206, %mul3A_204 : vector<16xf32>
        %mul3A_208 = arith.mulf %mul3A_203, %sub3A_207 : vector<16xf32>
        %mul3A_209 = arith.mulf %mul3A_140, %mul3A_208 : vector<16xf32>
        %mul3A_210 = arith.mulf %select_n3A, %mul3A_208 : vector<16xf32>
        %jit3A_211 = arith.constant 25 : i32
        %div3A_212 = vector.broadcast %jit3A_211 : i32 to vector<16xi32>
        %div3A_213 = arith.divsi %scan3A_93#2, %div3A_212 : vector<16xi32>
        %sign3A = arith.constant 0 : i32
        %sign3A_214 = vector.broadcast %sign3A : i32 to vector<16xi32>
        %sign3A_215 = arith.cmpi sgt, %scan3A_93#2, %sign3A_214 : vector<16xi32>
        %sign3A_216 = arith.extui %sign3A_215 : vector<16xi1> to vector<16xi32>
        %sign3A_217 = arith.constant 0 : i32
        %sign3A_218 = vector.broadcast %sign3A_217 : i32 to vector<16xi32>
        %sign3A_219 = arith.cmpi slt, %scan3A_93#2, %sign3A_218 : vector<16xi32>
        %sign3A_220 = arith.extui %sign3A_219 : vector<16xi1> to vector<16xi32>
        %sign3A_221 = arith.subi %sign3A_216, %sign3A_220 : vector<16xi32>
        %sign3A_222 = arith.constant 0 : i32
        %sign3A_223 = arith.cmpi sgt, %jit3A_211, %sign3A_222 : i32
        %sign3A_224 = arith.extui %sign3A_223 : i1 to i32
        %sign3A_225 = arith.constant 0 : i32
        %sign3A_226 = arith.cmpi slt, %jit3A_211, %sign3A_225 : i32
        %sign3A_227 = arith.extui %sign3A_226 : i1 to i32
        %sign3A_228 = arith.subi %sign3A_224, %sign3A_227 : i32
        %ne3A = vector.broadcast %sign3A_228 : i32 to vector<16xi32>
        %ne3A_229 = arith.cmpi ne, %sign3A_221, %ne3A : vector<16xi32>
        %rem3A = vector.broadcast %jit3A_211 : i32 to vector<16xi32>
        %rem3A_230 = arith.remsi %scan3A_93#2, %rem3A : vector<16xi32>
        %ne3A_231 = arith.constant 0 : i32
        %ne3A_232 = vector.broadcast %ne3A_231 : i32 to vector<16xi32>
        %ne3A_233 = arith.cmpi ne, %rem3A_230, %ne3A_232 : vector<16xi32>
        %and3A = arith.andi %ne3A_229, %ne3A_233 : vector<16xi1>
        %sub3A_234 = arith.constant 1 : i32
        %sub3A_235 = vector.broadcast %sub3A_234 : i32 to vector<16xi32>
        %sub3A_236 = arith.subi %div3A_213, %sub3A_235 : vector<16xi32>
        %select_n3A_237 = arith.select %and3A, %sub3A_236, %div3A_213 : vector<16xi1>, vector<16xi32>
        %mul3A_238 = arith.constant 25 : i32
        %mul3A_239 = vector.broadcast %mul3A_238 : i32 to vector<16xi32>
        %mul3A_240 = arith.muli %select_n3A_237, %mul3A_239 : vector<16xi32>
        %sub3A_241 = arith.subi %scan3A_93#2, %mul3A_240 : vector<16xi32>
        %jit3A_242 = arith.constant 25 : i32
        %div3A_243 = vector.broadcast %jit3A_242 : i32 to vector<16xi32>
        %div3A_244 = arith.divsi %scan3A_93#3, %div3A_243 : vector<16xi32>
        %sign3A_245 = arith.constant 0 : i32
        %sign3A_246 = vector.broadcast %sign3A_245 : i32 to vector<16xi32>
        %sign3A_247 = arith.cmpi sgt, %scan3A_93#3, %sign3A_246 : vector<16xi32>
        %sign3A_248 = arith.extui %sign3A_247 : vector<16xi1> to vector<16xi32>
        %sign3A_249 = arith.constant 0 : i32
        %sign3A_250 = vector.broadcast %sign3A_249 : i32 to vector<16xi32>
        %sign3A_251 = arith.cmpi slt, %scan3A_93#3, %sign3A_250 : vector<16xi32>
        %sign3A_252 = arith.extui %sign3A_251 : vector<16xi1> to vector<16xi32>
        %sign3A_253 = arith.subi %sign3A_248, %sign3A_252 : vector<16xi32>
        %sign3A_254 = arith.constant 0 : i32
        %sign3A_255 = arith.cmpi sgt, %jit3A_242, %sign3A_254 : i32
        %sign3A_256 = arith.extui %sign3A_255 : i1 to i32
        %sign3A_257 = arith.constant 0 : i32
        %sign3A_258 = arith.cmpi slt, %jit3A_242, %sign3A_257 : i32
        %sign3A_259 = arith.extui %sign3A_258 : i1 to i32
        %sign3A_260 = arith.subi %sign3A_256, %sign3A_259 : i32
        %ne3A_261 = vector.broadcast %sign3A_260 : i32 to vector<16xi32>
        %ne3A_262 = arith.cmpi ne, %sign3A_253, %ne3A_261 : vector<16xi32>
        %rem3A_263 = vector.broadcast %jit3A_242 : i32 to vector<16xi32>
        %rem3A_264 = arith.remsi %scan3A_93#3, %rem3A_263 : vector<16xi32>
        %ne3A_265 = arith.constant 0 : i32
        %ne3A_266 = vector.broadcast %ne3A_265 : i32 to vector<16xi32>
        %ne3A_267 = arith.cmpi ne, %rem3A_264, %ne3A_266 : vector<16xi32>
        %and3A_268 = arith.andi %ne3A_262, %ne3A_267 : vector<16xi1>
        %sub3A_269 = arith.constant 1 : i32
        %sub3A_270 = vector.broadcast %sub3A_269 : i32 to vector<16xi32>
        %sub3A_271 = arith.subi %div3A_244, %sub3A_270 : vector<16xi32>
        %select_n3A_272 = arith.select %and3A_268, %sub3A_271, %div3A_244 : vector<16xi1>, vector<16xi32>
        %mul3A_273 = arith.constant 25 : i32
        %mul3A_274 = vector.broadcast %mul3A_273 : i32 to vector<16xi32>
        %mul3A_275 = arith.muli %select_n3A_272, %mul3A_274 : vector<16xi32>
        %sub3A_276 = arith.subi %scan3A_93#3, %mul3A_275 : vector<16xi32>
        %convert_element_type3A_277 = arith.fptosi %squeeze3A : f32 to i32
        %sub3A_278 = arith.constant 12 : i32
        %sub3A_279 = arith.subi %convert_element_type3A_277, %sub3A_278 : i32
        %convert_element_type3A_280 = arith.fptosi %squeeze3A_39 : f32 to i32
        %sub3A_281 = arith.constant 12 : i32
        %sub3A_282 = arith.subi %convert_element_type3A_280, %sub3A_281 : i32
        %mul3A_283 = arith.constant 25 : i32
        %mul3A_284 = arith.muli %scan3A_34, %mul3A_283 : i32
        %add3A_285 = vector.broadcast %mul3A_284 : i32 to vector<16xi32>
        %add3A_286 = arith.addi %add3A_285, %iota3A : vector<16xi32>
        %add3A_287 = arith.constant 16 : i32
        %add3A_288 = vector.broadcast %add3A_287 : i32 to vector<16xi32>
        %add3A_289 = arith.addi %add3A_286, %add3A_288 : vector<16xi32>
        tpu.vector_store_idx %arg8[%add3A_286], %mul3A_209 : memref<19600xf32, #tpu.memory_space<vmem>>[vector<16xi32>], vector<16xf32>,
        tpu.vector_store_idx %arg8[%add3A_289], %mul3A_210 masked %lt3A_2 : memref<19600xf32, #tpu.memory_space<vmem>>[vector<16xi32>], vector<16xf32>, vector<16xi1>
        %add3A_290 = vector.broadcast %sub3A_279 : i32 to vector<16xi32>
        %add3A_291 = arith.addi %add3A_290, %select_n3A_237 : vector<16xi32>
        tpu.vector_store_idx %arg9[%add3A_286], %add3A_291 : memref<19600xi32, #tpu.memory_space<vmem>>[vector<16xi32>], vector<16xi32>,
        %add3A_292 = vector.broadcast %sub3A_279 : i32 to vector<16xi32>
        %add3A_293 = arith.addi %add3A_292, %select_n3A_272 : vector<16xi32>
        tpu.vector_store_idx %arg9[%add3A_289], %add3A_293 masked %lt3A_2 : memref<19600xi32, #tpu.memory_space<vmem>>[vector<16xi32>], vector<16xi32>, vector<16xi1>
        %add3A_294 = vector.broadcast %sub3A_282 : i32 to vector<16xi32>
        %add3A_295 = arith.addi %add3A_294, %sub3A_241 : vector<16xi32>
        tpu.vector_store_idx %arg10[%add3A_286], %add3A_295 : memref<19600xi32, #tpu.memory_space<vmem>>[vector<16xi32>], vector<16xi32>,
        %add3A_296 = vector.broadcast %sub3A_282 : i32 to vector<16xi32>
        %add3A_297 = arith.addi %add3A_296, %sub3A_276 : vector<16xi32>
        tpu.vector_store_idx %arg10[%add3A_289], %add3A_297 masked %lt3A_2 : memref<19600xi32, #tpu.memory_space<vmem>>[vector<16xi32>], vector<16xi32>, vector<16xi1>
      }
      %scan3A_27 = arith.constant 784 : i32
      %mul3A_28 = arith.constant 25 : i32
      %mul3A_29 = arith.muli %add3A_13, %mul3A_28 : i32
      "tpu.region"() ({
        %run_scoped3A = tpu.sem_alloc : memref<!tpu.dma_semaphore, #tpu.memory_space<semaphore_mem>>
        %dma_start3A = tpu.memref_slice %arg3[%mul3A_29] : memref<1254400xf32, #tpu.memory_space<hbm>> -> memref<19600xf32, #tpu.memory_space<hbm>>
        %dma_start3A_34 = tpu.memref_slice %arg3[%mul3A_29] : memref<1254400xf32, #tpu.memory_space<hbm>> -> memref<19600xf32, #tpu.memory_space<hbm>>
        tpu.enqueue_dma source(%arg8 : memref<19600xf32, #tpu.memory_space<vmem>>) target(%dma_start3A_34 : memref<19600xf32, #tpu.memory_space<hbm>>) target_semaphore(%run_scoped3A : memref<!tpu.dma_semaphore, #tpu.memory_space<semaphore_mem>>)
        %dma_wait3A = tpu.memref_slice %arg3[%mul3A_29] : memref<1254400xf32, #tpu.memory_space<hbm>> -> memref<19600xf32, #tpu.memory_space<hbm>>
        %dma_wait3A_35 = tpu.memref_slice %arg3[%mul3A_29] : memref<1254400xf32, #tpu.memory_space<hbm>> -> memref<19600xf32, #tpu.memory_space<hbm>>
        tpu.wait_dma2 semaphore(%run_scoped3A : memref<!tpu.dma_semaphore, #tpu.memory_space<semaphore_mem>>) src(%arg8 : memref<19600xf32, #tpu.memory_space<vmem>>) dst(%dma_wait3A_35 : memref<19600xf32, #tpu.memory_space<hbm>>)
        tpu.yield
      }) : () -> ()
      %mul3A_30 = arith.constant 25 : i32
      %mul3A_31 = arith.muli %add3A_13, %mul3A_30 : i32
      "tpu.region"() ({
        %run_scoped3A = tpu.sem_alloc : memref<!tpu.dma_semaphore, #tpu.memory_space<semaphore_mem>>
        %dma_start3A = tpu.memref_slice %arg4[%mul3A_31] : memref<1254400xi32, #tpu.memory_space<hbm>> -> memref<19600xi32, #tpu.memory_space<hbm>>
        %dma_start3A_34 = tpu.memref_slice %arg4[%mul3A_31] : memref<1254400xi32, #tpu.memory_space<hbm>> -> memref<19600xi32, #tpu.memory_space<hbm>>
        tpu.enqueue_dma source(%arg9 : memref<19600xi32, #tpu.memory_space<vmem>>) target(%dma_start3A_34 : memref<19600xi32, #tpu.memory_space<hbm>>) target_semaphore(%run_scoped3A : memref<!tpu.dma_semaphore, #tpu.memory_space<semaphore_mem>>)
        %dma_wait3A = tpu.memref_slice %arg4[%mul3A_31] : memref<1254400xi32, #tpu.memory_space<hbm>> -> memref<19600xi32, #tpu.memory_space<hbm>>
        %dma_wait3A_35 = tpu.memref_slice %arg4[%mul3A_31] : memref<1254400xi32, #tpu.memory_space<hbm>> -> memref<19600xi32, #tpu.memory_space<hbm>>
        tpu.wait_dma2 semaphore(%run_scoped3A : memref<!tpu.dma_semaphore, #tpu.memory_space<semaphore_mem>>) src(%arg9 : memref<19600xi32, #tpu.memory_space<vmem>>) dst(%dma_wait3A_35 : memref<19600xi32, #tpu.memory_space<hbm>>)
        tpu.yield
      }) : () -> ()
      %mul3A_32 = arith.constant 25 : i32
      %mul3A_33 = arith.muli %add3A_13, %mul3A_32 : i32
      "tpu.region"() ({
        %run_scoped3A = tpu.sem_alloc : memref<!tpu.dma_semaphore, #tpu.memory_space<semaphore_mem>>
        %dma_start3A = tpu.memref_slice %arg5[%mul3A_33] : memref<1254400xi32, #tpu.memory_space<hbm>> -> memref<19600xi32, #tpu.memory_space<hbm>>
        %dma_start3A_34 = tpu.memref_slice %arg5[%mul3A_33] : memref<1254400xi32, #tpu.memory_space<hbm>> -> memref<19600xi32, #tpu.memory_space<hbm>>
        tpu.enqueue_dma source(%arg10 : memref<19600xi32, #tpu.memory_space<vmem>>) target(%dma_start3A_34 : memref<19600xi32, #tpu.memory_space<hbm>>) target_semaphore(%run_scoped3A : memref<!tpu.dma_semaphore, #tpu.memory_space<semaphore_mem>>)
        %dma_wait3A = tpu.memref_slice %arg5[%mul3A_33] : memref<1254400xi32, #tpu.memory_space<hbm>> -> memref<19600xi32, #tpu.memory_space<hbm>>
        %dma_wait3A_35 = tpu.memref_slice %arg5[%mul3A_33] : memref<1254400xi32, #tpu.memory_space<hbm>> -> memref<19600xi32, #tpu.memory_space<hbm>>
        tpu.wait_dma2 semaphore(%run_scoped3A : memref<!tpu.dma_semaphore, #tpu.memory_space<semaphore_mem>>) src(%arg10 : memref<19600xi32, #tpu.memory_space<vmem>>) dst(%dma_wait3A_35 : memref<19600xi32, #tpu.memory_space<hbm>>)
        tpu.yield
      }) : () -> ()
    }
    %scan3A_7 = arith.constant 2 : i32
    return
  }
}

</mosaic_0001>

<sc_bundles>
// kernel: kernel.3.cloned.1.call-start
scs
__scs_entry_jumppad:
0x0: {  	(pc) =	sbr.rel $0x88, $3  }
0x1: {  	(tag) =	ssettag $0x0;
	lr =	simm.s32 $0x1  }
0x2: {  	[smem:$0x3FA0] =	sst lr;
	_ =	strace $0xD0000000  }
0x3: {  	_ = 	snop  }
0x4: {  	_ = 	snop  }
0x5: {  	_ = 	snop  }
0x6: {  	_ = 	snop  }
0x7: {  	_ = 	snop  }
__scs_overlays_trampoline_lowered:
0x8: {  	[smem:$0x3FAF] =	sst s0  }
0x9: {  	[smem:$0x3FB0] =	sst s1  }
0xa: {  	[smem:$0x3FB1] =	sst s2  }
0xb: {  	[smem:$0x3FB2] =	sst s3  }
0xc: {  	[smem:$0x3FB3] =	sst s4  }
0xd: {  	[smem:$0x3FB4] =	sst s5  }
0xe: {  	[smem:$0x3FB5] =	sst s6  }
0xf: {  	[smem:$0x3FB6] =	sst s7  }
0x10: {  	[smem:$0x3FB7] =	sst s8  }
0x11: {  	[smem:$0x3FB8] =	sst s9;
	s0 =	simm.s32 @!p0 $0x0  }
0x12: {  	s1 =	sld [smem:$0x3F9E];
	s0 =	simm.s32 @p0 $0x1  }
0x13: {  	[smem:$0x3FB9] =	sst s0;
	s0 =	simm.s32 @!p1 $0x0  }
0x14: {  	s2 =	sld [smem:$0x3F9D];
	s0 =	simm.s32 @p1 $0x1  }
0x15: {  	[smem:$0x3FBA] =	sst s0;
	s0 =	simm.s32 @!p2 $0x0  }
0x16: {  	s3 =	sld [smem:$0x3FDB];
	s0 =	simm.s32 @p2 $0x1  }
0x17: {  	s4 =	simm.s32 $0x1BF5;
	[smem:$0x3FBC] =	sst s0  }
0x18: {  	s0 =	sld [smem:$0x3F9F];
	_ =	swait.ge [sflag:s4], $0x0  }
0x19: {  	s7 =	sld [smem:$0x3FA0]  }
0x1a: {  	s8 =	sadd.s32 $0xFFFFE003, lr  }
0x1b: {  	s9 =	sadd.s32 $0xFFFFFEF7, lr;
	s5 =	simm.s32 $0xFFFFFFFF;
	p2 =	slt.u32 s8, $0xFFFFF086  }
0x1c: {  	p1 =	slt.u32 s9, $0xF7A;
	s5 =	simm.s32 @!p2 $0x0  }
0x1d: {  	s5 =	simm.s32 @p1 $0x1;
	p0 =	seq.s32 s7, s2  }
0x1e: {  	s7 =	smul.u32 @!p0 $0xF7A, s2;
	p2 =	seq.s32 @!p0 s5, $0x0  }
0x1f: {  	s9 =	smul.u32 $0xF7A, s1;
	s8 =	simm.s32 @!p0 $0x1BF5;
	p2 =	por !p2, p0  }
0x20: {  	[sflag:s8] =	ssyncset.s32 @!p0 $0xFFFFF086;
	s6 =	sadd.s32 @!p0 s3, s7;
	s7 =	simm.s32 @!p0 $0x108  }
0x21: {  	s3 =	sadd.s32 s3, s9;
	s6 =	sadd.s32 @!p0 $0x88, s6;
	s7 =	simm.s32 @p2 $0x1082  }
0x22: {  	[simem:s7], [sflag:s8] =	dma.local @!p0 [hbm:s6], $0xF7A  }
0x23: {  	s9 =	sor.u32 $0xD0000000, s2;
	s6 =	simm.s32 $0x108;
	_ =	swait.ge @!p0 [sflag:s8], $0x0  }
0x24: {  	s3 =	sadd.s32 $0x88, s3;
	s6 =	simm.s32 @!p1 $0x1082;
	[sflag:s4] =	ssyncset.s32 $0xFFFFF086  }
0x25: {  	[simem:s6], [sflag:s4] =	dma.local [hbm:s3], $0xF7A  }
0x26: {  	[smem:$0x3FA0] =	sst s1;
	(tag) =	ssettag s2;
	_ =	strace s9  }
0x27: {  	s1 =	sld [smem:$0x3FB0]  }
0x28: {  	s2 =	sld [smem:$0x3FB1]  }
0x29: {  	s4 =	sld [smem:$0x3FB3]  }
0x2a: {  	p0 =	seq.s32 s5, $0x0;
	s5 =	sld [smem:$0x3FB4]  }
0x2b: {  	s6 =	sld [smem:$0x3FB5]  }
0x2c: {  	s7 =	sld [smem:$0x3FB6]  }
0x2d: {  	s3 =	simm.s32 $0x108;
	s8 =	sld [smem:$0x3FB7]  }
0x2e: {  	s3 =	simm.s32 @!p0 $0x1082;
	s9 =	sld [smem:$0x3FB8]  }
0x2f: {  	lr =	sadd.s32 s0, s3;
	s0 =	sld [smem:$0x3FAF]  }
0x30: {  	s3 =	sld [smem:$0x3FB2]  }
0x31: {  	[smem:$0x3FBB] =	sst s10  }
0x32: {  	s10 =	sld [smem:$0x3FB9];
	_ =	sdelay $0x3  }
0x33: {  	p0 =	seq.s32 s10, $0x1;
	s10 =	sld [smem:$0x3FBB];
	_ =	sdelay $0x3  }
0x34: {  	[smem:$0x3FBB] =	sst s10  }
0x35: {  	s10 =	sld [smem:$0x3FBA];
	_ =	sdelay $0x3  }
0x36: {  	p1 =	seq.s32 s10, $0x1;
	s10 =	sld [smem:$0x3FBB];
	_ =	sdelay $0x3  }
0x37: {  	[smem:$0x3FBB] =	sst s10  }
0x38: {  	s10 =	sld [smem:$0x3FBC]  }
0x39: {  	_ = 	snop;
	(pc) =	sbr.ind lr, $3  }
0x3a: {  	_ = 	snop  }
0x3b: {  	_ = 	snop  }
0x3c: {  	p2 =	seq.s32 s10, $0x1;
	s10 =	sld [smem:$0x3FBB]  }
0x3d: {  	_ =	shalt  }
0x3e: {  	_ =	shalt  }
0x3f: {  	_ =	shalt  }
0x40: {  	_ =	shalt  }
0x41: {  	_ =	shalt  }
0x42: {  	_ =	shalt  }
0x43: {  	_ =	shalt  }
0x44: {  	_ =	shalt  }
0x45: {  	_ =	shalt  }
0x46: {  	_ =	shalt  }
0x47: {  	_ =	shalt  }
0x48: {  	_ =	shalt  }
0x49: {  	_ =	shalt  }
0x4a: {  	_ =	shalt  }
0x4b: {  	_ =	shalt  }
0x4c: {  	_ =	shalt  }
0x4d: {  	_ =	shalt  }
0x4e: {  	_ =	shalt  }
0x4f: {  	_ =	shalt  }
0x50: {  	_ =	shalt  }
0x51: {  	_ =	shalt  }
0x52: {  	_ =	shalt  }
0x53: {  	_ =	shalt  }
0x54: {  	_ =	shalt  }
0x55: {  	_ =	shalt  }
0x56: {  	_ =	shalt  }
0x57: {  	_ =	shalt  }
0x58: {  	_ =	shalt  }
0x59: {  	_ =	shalt  }
0x5a: {  	_ =	shalt  }
0x5b: {  	_ =	shalt  }
0x5c: {  	_ =	shalt  }
0x5d: {  	_ =	shalt  }
0x5e: {  	_ =	shalt  }
0x5f: {  	_ =	shalt  }
0x60: {  	_ =	shalt  }
0x61: {  	_ =	shalt  }
0x62: {  	_ =	shalt  }
0x63: {  	_ =	shalt  }
0x64: {  	_ =	shalt  }
0x65: {  	_ =	shalt  }
0x66: {  	_ =	shalt  }
0x67: {  	_ =	shalt  }
0x68: {  	_ =	shalt  }
0x69: {  	_ =	shalt  }
0x6a: {  	_ =	shalt  }
0x6b: {  	_ =	shalt  }
0x6c: {  	_ =	shalt  }
0x6d: {  	_ =	shalt  }
0x6e: {  	_ =	shalt  }
0x6f: {  	_ =	shalt  }
0x70: {  	_ =	shalt  }
0x71: {  	_ =	shalt  }
0x72: {  	_ =	shalt  }
0x73: {  	_ =	shalt  }
0x74: {  	_ =	shalt  }
0x75: {  	_ =	shalt  }
0x76: {  	_ =	shalt  }
0x77: {  	_ =	shalt  }
0x78: {  	_ =	shalt  }
0x79: {  	_ =	shalt  }
0x7a: {  	_ =	shalt  }
0x7b: {  	_ =	shalt  }
0x7c: {  	_ =	shalt  }
0x7d: {  	_ =	shalt  }
0x7e: {  	_ =	shalt  }
0x7f: {  	_ =	shalt  }
0x80: {  	_ =	shalt  }
0x81: {  	_ =	shalt  }
0x82: {  	_ =	shalt  }
0x83: {  	_ =	shalt  }
0x84: {  	_ =	shalt  }
0x85: {  	_ =	shalt  }
0x86: {  	_ =	shalt  }
0x87: {  	_ =	shalt  }
.Lfunc_end0:
.L_simem_size_0:
called_computation_lowered:
.L_overlay_start_0:
0x88: {  	s2 =	sld [smem:$0x3FD9]  }
0x89: {  	s3 =	sld [smem:$0x3FFE];
	_ =	sdelay $0x1  }
0x8a: {  	s1 =	srdreg.scid  }
0x8b: {  	s0 =	sand.u32 $0x1, s1  }
0x8c: {  	s14 =	sshll.u32 s0, $0xA;
	s2 =	sadd.s32 s3, s2  }
0x8d: {  	s2 =	sadd.s32 s2, s14  }
0x8e: {  	[smem:$0x3FC7] =	sst s2  }
0x8f: {  	_ = 	snop  }
0x90: {  	s2 =	sld [smem:$0x3FD0];
	_ =	sdelay $0x2  }
0x91: {  	s15 =	simm.s32 $0xA;
	s4 =	simm.s32 $0x10  }
0x92: {  	[smem:s4], [sflag:s15] =	dma.local [hbm:s2], $0x1  }
0x93: {  	_ =	swait.eq [sflag:s15], $0x1  }
0x94: {  	s16 =	sld [smem:$0x10];
	[sflag:s15] =	ssyncset.done $0x0  }
0x95: {  	s17 =	sld [smem:$0x11];
	[sflag:s15] =	ssyncadd.s32 $0xFFFFFFFF  }
0x96: {  	s18 =	sld [smem:$0x12];
	(tm) =	ssettm $0x1  }
0x97: {  	s5 =	sld [smem:$0x3FFB];
	_ =	sdelay $0x3  }
0x98: {  	_ =	strace s5  }
0x99: {  	s5 =	sld [smem:$0x3FFC];
	_ =	sdelay $0x3  }
0x9a: {  	_ =	strace s5  }
0x9b: {  	s5 =	sld [smem:$0x3FFD];
	_ =	sdelay $0x3  }
0x9c: {  	_ =	strace s5  }
0x9d: {  	_ =	strace $0x8FFFFFFF  }
0x9e: {  	s19 =	sld [smem:$0x3FDB];
	_ =	sdelay $0x1  }
0x9f: {  	s6 =	simm.s32 $_scs_section_size  }
0xa0: {  	s7 =	simm.s32 $_size__tile_overlayer_lowered;
	s8 =	simm.s32 $_tile_overlayer_lowered  }
0xa1: {  	s22 =	simm.s32 $0x1BFF;
	s21 =	sshll.u32 s8, $0x1;
	s5 =	sadd.s32 s6, s19  }
0xa2: {  	s9 =	simm.s32 $0x0;
	s20 =	sshll.u32 s7, $0x1;
	s7 =	sadd.s32 s21, s5  }
0xa3: {  	[timem:s9], [sflag:s22] =	dma.local [hbm:s7], s20  }
0xa4: {  	_ =	swait.ge [sflag:s22], s20  }
0xa5: {  	s6 =	ssub.s32 $0x0, s20;
	[sflag:s22] =	ssyncset.done $0x0  }
0xa6: {  	[sflag:s22] =	ssyncadd.s32 s6;
	_ =	sdelay $0x1  }
0xa7: {  	s23 =	simm.s32 $0x1B8B  }
0xa8: {  	_ =	swait.ge [sflag:s23], $0x1  }
0xa9: {  	[sflag:s23] =	ssyncset.done $0x0  }
0xaa: {  	s25 =	simm.s32 $0x1B8E;
	s24 =	sld [smem:$0x3FFE];
	[sflag:s23] =	ssyncadd.s32 $0xFFFFFFFF  }
0xab: {  	s26 =	simm.s32 $execute0_lowered;
	[smem:$0x3FD2] =	sst s25  }
0xac: {  	s7 =	sshll.u32 s26, $0x1;
	_ =	strace $0x80000046;
	[dreg:$0x1] =	wrdreg $0xFFFFFFFF  }
0xad: {  	s28 =	simm.s32 $_size_execute0_lowered;
	s5 =	sadd.s32 s5, s7;
	[dreg:$0x0] =	wrdreg $0x0  }
0xae: {  	s7 =	sshll.u32 s28, $0x1;
	[dreg:$0x2] =	wrdreg s5  }
0xaf: {  	[dreg:$0x3] =	wrdreg s7  }
0xb0: {  	[dreg:$0x4] =	wrdreg $0xC0  }
0xb1: {  	_ =	task [dreg:s9], $0x5FFFF  }
0xb2: {  	[dreg:$0x1] =	wrdreg $0xFFFFFFFF  }
0xb3: {  	[dreg:$0x0] =	wrdreg $0x60  }
0xb4: {  	[dreg:$0x2] =	wrdreg s24  }
0xb5: {  	[dreg:$0x3] =	wrdreg s18  }
0xb6: {  	[dreg:$0x4] =	wrdreg s17  }
0xb7: {  	[dreg:$0x5] =	wrdreg s16  }
0xb8: {  	[dreg:$0x6] =	wrdreg $0x9  }
0xb9: {  	_ =	task.clear_ibuf [dreg:s9], $0x7FFFF;
	_ =	strace $0x90000046  }
0xba: {  	s29 =	simm.s32 $0x9;
	_ =	strace $0x80000048  }
0xbb: {  	_ =	swait.ge [sflag:s29], $0x1  }
0xbc: {  	[sflag:s29] =	ssyncadd.s32 $0xFFFFFFFF  }
0xbd: {  	_ =	strace $0x90000048  }
0xbe: {  	_ =	sfence  }
0xbf: {  	s30 =	sld [smem:$0x0];
	_ =	sdelay $0x2  }
0xc0: {  	s31 =	sshll.u32 s1, $0xD;
	s1 =	sshrl.u32 s1, $0x2  }
0xc1: {  	s3 =	sand.u32 $0x4000, s31;
	s1 =	sadd.s32 s1, s30  }
0xc2: {  	s0 =	sor.u32 s3, s0;
	s1 =	sshll.u32 s1, $0x11  }
0xc3: {  	s0 =	sor.u32 s1, s0  }
0xc4: {  	s0 =	sadd.s32 $0x8F2B, s0  }
0xc5: {  	[sflag:s0] =	ssyncadd.remote.s32 $0x1  }
0xc6: {  	_ =	sfence.sel $0xFFFF  }
0xc7: {  	[dreg:$0x0] =	wrdreg $0xFFFFFFFF;
	(pc) =	sbr.abs _section_cstart, $3  }
0xc8: {  	[dreg:$0x1] =	wrdreg $0xFFFFFFFF  }
0xc9: {  	_ =	task.clear_ibuf [dreg:s9], $0x2FFFF;
	_ =	strace $0x9FFFFFFF  }
0xca: {  	(tm) =	ssettm $0x7FFFFFFF  }
0xcb: {  	_ =	shalt  }
tec
execute0_lowered:
.L_overlay_start_1:
0x0: {  	(tag) =	ssettag $0x1  }
0x1: {  	v0 =	vimm.f32 $2.000000000e+00;
	v1 =	vimm.f32 $3.000000000e+00;
	vm0 =	vcmask $0x300  }
0x2: {  	vm1 =	vcmask $0x704;
	v2 =	vimm.f32 $1.900000000e+01;
	vm2 =	vcmask $0xB08  }
0x3: {  	vm3 =	vcmask $0xF0C;
	vm4 =	vcmask $0x1310;
	vm6 =	vcmask $0x1B18  }
0x4: {  	vm8 =	vcmask $0x2320;
	vm10 =	vcmask $0x2B28;
	vm11 =	vcmask $0x2F2C  }
0x5: {  	vm12 =	vcmask $0x3330;
	vm13 =	vcmask $0x3734;
	v3 =	vimm.s32 $0xECA86420  }
0x6: {  	vm14 =	vcmask $0x3B38;
	v1 =	vsel vm0, $0xC1400000, v1;
	v2 =	vsel vm0, $0x40800000, v2  }
0x7: {  	vm15 =	vmmov $0x1ff;
	v1 =	vsel vm1, $0xC1300000, v1;
	v2 =	vsel vm1, $0x40A00000, v2  }
0x8: {  	s1 =	simm.s32 $0x0;
	v4 =	vimm.f32 $0.0e+00;
	v1 =	vsel vm2, $0xC1200000, v1;
	v2 =	vsel vm2, $0x40C00000, v2  }
0x9: {  	v8 =	vimm.s32 $0x0;
	[smem:$0x7FF] =	sst s1;
	v1 =	vsel vm3, $0xC1100000, v1;
	v2 =	vsel vm3, $0x40E00000, v2  }
0xa: {  	s0 =	rddreg [dreg:$0x0];
	_ =	strace $0x80000047;
	vm1 =	vcmask $0x1714;
	v1 =	vsel vm4, $0xC1000000, v1;
	v2 =	vsel vm4, $0x41000000, v2  }
0xb: {  	(erf) = vrcp.f32 v0;
	v1 =	vsel vm1, $0xC0E00000, v1;
	v2 =	vsel vm1, $0x41100000, v2  }
0xc: {  	vm3 =	vcmask $0x1F1C;
	v1 =	vsel vm6, $0xC0C00000, v1;
	v2 =	vsel vm6, $0x41200000, v2  }
0xd: {  	vm9 =	vcmask $0x1F1C;
	v1 =	vsel vm3, $0xC0A00000, v1;
	v2 =	vsel vm3, $0x41300000, v2  }
0xe: {  	s29 =	srdreg.scid;
	s4 =	stileid.u32;
	vm1 =	vcmask $0x2724;
	v1 =	vsel vm8, $0xC0800000, v1;
	v2 =	vsel vm8, $0x41400000, v2  }
0xf: {  	s1 =	sand.u32 $0x1, s29;
	s4 =	sshll.u32 s4, $0x1;
	v5 =	vunpack.c.l.s4.s8 v3;
	v1 =	vsel vm1, $0xC0400000, v1;
	v2 =	vsel vm1, $0x41500000, v2  }
0x10: {  	s2 =	ssub.s32 $0x2, s1;
	s1 =	sor.u32 s1, s4;
	v0 =	vlaneseq.u32;
	v1 =	vsel vm10, $0xC0000000, v1;
	v2 =	vsel vm10, $0x41600000, v2  }
0x11: {  	s0 =	sadd.s32 $0x1800, s0;
	s3 =	sshrl.u32 s2, $0x1;
	s30 =	smul.u32 $0x620, s1;
	v5 =	vunpack.c.0.s8.s32 v5;
	v1 =	vsel vm11, $0xBF800000, v1;
	v2 =	vsel vm11, $0x41700000, v2  }
0x12: {  	[dreg:$0x5] =	wrdreg s0;
	s2 =	ssub.s32 s2, s3;
	v3 =	vor.u32 $0x10, v0;
	v1 =	vsel vm12, $0x0, v1;
	v2 =	vsel vm12, $0x41800000, v2  }
0x13: {  	s10 =	simm.s32 $0x1880;
	v7 =	vmul.u32 $0x2, v0;
	[dreg:$0x6] =	wrdreg s30;
	s31 =	smax.u32 s2, $0x1;
	v1 =	vsel vm13, $0x3F800000, v1;
	v2 =	vsel vm13, $0x41880000, v2  }
0x14: {  	s1 =	simm.s32 $0x0;
	s3 =	simm.s32 $0x1;
	[dreg:$0x7] =	wrdreg s31;
	vm1 =	vmmov $0xff;
	v6 =	vpop (erf);
	v1 =	vsel vm14, $0x40000000, v1;
	v2 =	vsel vm14, $0x41900000, v2  }
.LBB2_1:
0x15: {  	[dreg:$0x8] =	wrdreg s1;
	p1 =	por $0x1, $0x1;
	s0 =	simm.s32 $0x0  }
.LBB2_2:
0x16: {  	s15 =	simm.s32 $0x0  }
0x17: {  	s1 =	rddreg [dreg:$0x6];
	v9 =	vor.u32 s15, v0  }
0x18: {  	s30 =	rddreg [dreg:$0x5];
	s1 =	sadd.s32 s1, s0;
	v10 =	vshll.u32 v9, $0x3  }
0x19: {  	[dreg:$0x9] =	wrdreg s1;
	s0 =	sadd.s32 s30, s1;
	v11 =	vor.u32 $0x2, v10  }
0x1a: {  	[tilespmem:s15], [sflag:$0x1] =	stream.linear.gather [hbm4b:s0+s15], $0x1880, $0x38;
	v12 =	vor.u32 $0x3, v10;
	[tilespmem:$0x13080] =	vst v63  }
0x1b: {  	_ =	swait.ge [sflag:s3], $0x1880  }
0x1c: {  	[sflag:s3] =	ssyncset.done $0x0  }
0x1d: {  	[sflag:s3] =	ssyncadd.s32 $0xFFFFE780  }
0x1e: {  	v11 =	vld.idx.msk [tilespmem:v11+s15+$0x0], $0xffff  }
0x1f: {  	v12 =	vld.idx.msk [tilespmem:v12+s15+$0x0], $0xffff;
	_ =	sdelay $0x4  }
0x20: {  	v13 =	vmul.f32 v12, v11;
	_ =	sdelay $0x1  }
0x21: {  	v14 =	vshra.s32 v13, $0x1;
	v15 =	vmul.f32 $5.000000000e-01, v13  }
0x22: {  	v14 =	vsub.s32 $0x5F3759DF, v14  }
0x23: {  	v16 =	vmul.f32 v14, v15;
	_ =	sdelay $0x1  }
0x24: {  	v16 =	vmul.f32 v14, v16;
	_ =	sdelay $0x1  }
0x25: {  	v16 =	vsub.f32 $1.500000000e+00, v16;
	_ =	sdelay $0x1  }
0x26: {  	v14 =	vmul.f32 v14, v16;
	_ =	sdelay $0x1  }
0x27: {  	v16 =	vmul.f32 v14, v15;
	_ =	sdelay $0x1  }
0x28: {  	v16 =	vmul.f32 v16, v14;
	_ =	sdelay $0x1  }
0x29: {  	v16 =	vsub.f32 $1.500000000e+00, v16;
	_ =	sdelay $0x1  }
0x2a: {  	v14 =	vmul.f32 v16, v14;
	_ =	sdelay $0x1  }
0x2b: {  	v16 =	vor.u32 $0x4, v10;
	v15 =	vmul.f32 v14, v15;
	_ =	sdelay $0x1  }
0x2c: {  	v15 =	vmul.f32 v15, v14;
	_ =	sdelay $0x1  }
0x2d: {  	v15 =	vsub.f32 $1.500000000e+00, v15  }
0x2e: {  	v16 =	vld.idx.msk [tilespmem:v16+s15+$0x0], $0xffff  }
0x2f: {  	v14 =	vmul.f32 v15, v14;
	_ =	sdelay $0x1  }
0x30: {  	v14 =	vmul.f32 v14, v13;
	_ =	sdelay $0x1  }
0x31: {  	v15 =	vmul.f32 v14, v16;
	_ =	sdelay $0x1  }
0x32: {  	v14 =	vmul.f32 v15, v15;
	_ =	sdelay $0x1  }
0x33: {  	v13 =	vsub.f32 v13, v14;
	_ =	sdelay $0x1  }
0x34: {  	v14 =	vor.u32 $0x1, v10;
	(erf) = vrcp.f32 v13;
	_ =	sdelay $0x3  }
0x35: {  	v16 =	vld.idx.msk [tilespmem:v10+s15+$0x0], $0xffff  }
0x36: {  	v18 =	vld.idx.msk [tilespmem:v14+s15+$0x0], $0xffff;
	_ =	sdelay $0x3  }
0x37: {  	v14 =	vadd.f32 $1.000000000e+00, v16;
	v10 =	vpop (erf)  }
0x38: {  	v19 =	vadd.f32 $1.000000000e+00, v18;
	v17 =	vmul.f32 v10, v13  }
0x39: {  	v14 =	vmul.f32 v14, v6  }
0x3a: {  	v19 =	vmul.f32 v19, v6;
	v17 =	vsub.f32 $2.000000000e+00, v17  }
0x3b: {  	v14 =	vmul.f32 $3.510000000e+02, v14  }
0x3c: {  	v10 =	vmul.f32 v17, v10;
	v17 =	vmul.f32 $1.270000000e+02, v19  }
0x3d: {  	v14 =	vadd.f32 $1.258291200e+07, v14  }
0x3e: {  	v13 =	vmul.f32 v10, v13;
	v17 =	vadd.f32 $1.258291200e+07, v17  }
0x3f: {  	v9 =	vshll.u32 v9, $0x4;
	v14 =	vadd.f32 $-1.258291200e+07, v14  }
0x40: {  	v19 =	vor.u32 $0x1, v9;
	v13 =	vsub.f32 $2.000000000e+00, v13;
	v17 =	vadd.f32 $-1.258291200e+07, v17  }
0x41: {  	v20 =	vor.u32 $0x2, v9;
	v21 =	vor.u32 $0x3, v9;
	v23 =	vor.u32 $0x4, v9  }
0x42: {  	v14 =	vmax.f32 v14, $1.200000000e+01;
	v22 =	vmul.f32 v13, v10;
	v13 =	vmax.f32 v17, $1.200000000e+01  }
0x43: {  	s31 =	simm.s32 $0x10;
	v10 =	vmin.f32 v14, $3.390000000e+02;
	v14 =	vor.u32 $0x5, v9;
	v17 =	vmin.f32 v13, $1.150000000e+02  }
0x44: {  	[tilespmem:v9+s10+$0x0] =	vst.idx.msk $0xffff, v10;
	v13 =	vor.u32 $0x6, v9;
	v9 =	vor.u32 s31, v0;
	v12 =	vmul.f32 v22, v12  }
0x45: {  	[tilespmem:v19+s10+$0x0] =	vst.idx.msk $0xffff, v17;
	v10 =	vshll.u32 v9, $0x3  }
0x46: {  	v19 =	vmul.f32 v22, v11;
	[tilespmem:v20+s10+$0x0] =	vst.idx.msk $0xffff, v16;
	v16 =	vor.u32 $0x2, v10;
	v20 =	vmul.f32 $-5.000000000e-01, v12  }
0x47: {  	v17 =	vmul.f32 v22, v15;
	v15 =	vor.u32 $0x3, v10;
	[tilespmem:v21+s10+$0x0] =	vst.idx.msk $0xffff, v18  }
0x48: {  	p0 =	por p1, p1;
	s17 =	simm.s32 $0x20;
	v11 =	vor.u32 $0x1, v10;
	v12 =	vor.u32 $0x4, v10;
	v18 =	vmul.f32 $-5.000000000e-01, v19;
	[tilespmem:v23+s10+$0x0] =	vst.idx.msk $0xffff, v20  }
.LBB2_3:
0x49: {  	p1 =	sne.s32 s17, $0x300;
	[tilespmem:v14+s10+$0x0] =	vst.idx.msk $0xffff, v17;
	s18 =	smov.u32 s17;
	s17 =	sadd.s32 $0x10, s17  }
0x4a: {  	[tilespmem:v13+s10+$0x0] =	vst.idx.msk $0xffff, v18  }
0x4b: {  	v16 =	vld.idx.msk [tilespmem:v16+s15+$0x0], $0xffff  }
0x4c: {  	v15 =	vld.idx.msk [tilespmem:v15+s15+$0x0], $0xffff;
	_ =	sdelay $0x5  }
0x4d: {  	v13 =	vmul.f32 v15, v16;
	_ =	sdelay $0x1  }
0x4e: {  	v14 =	vshra.s32 v13, $0x1;
	v17 =	vmul.f32 $5.000000000e-01, v13  }
0x4f: {  	v14 =	vsub.s32 $0x5F3759DF, v14  }
0x50: {  	v18 =	vmul.f32 v14, v17;
	_ =	sdelay $0x1  }
0x51: {  	v18 =	vmul.f32 v14, v18;
	_ =	sdelay $0x1  }
0x52: {  	v18 =	vsub.f32 $1.500000000e+00, v18;
	_ =	sdelay $0x1  }
0x53: {  	v14 =	vmul.f32 v14, v18;
	_ =	sdelay $0x1  }
0x54: {  	v18 =	vmul.f32 v14, v17;
	_ =	sdelay $0x1  }
0x55: {  	v18 =	vmul.f32 v18, v14;
	_ =	sdelay $0x1  }
0x56: {  	v18 =	vsub.f32 $1.500000000e+00, v18;
	_ =	sdelay $0x1  }
0x57: {  	v14 =	vmul.f32 v18, v14;
	_ =	sdelay $0x1  }
0x58: {  	v17 =	vmul.f32 v14, v17;
	_ =	sdelay $0x1  }
0x59: {  	v17 =	vmul.f32 v17, v14  }
0x5a: {  	v12 =	vld.idx.msk [tilespmem:v12+s15+$0x0], $0xffff  }
0x5b: {  	v17 =	vsub.f32 $1.500000000e+00, v17;
	_ =	sdelay $0x1  }
0x5c: {  	v14 =	vmul.f32 v17, v14;
	_ =	sdelay $0x1  }
0x5d: {  	v14 =	vmul.f32 v14, v13;
	_ =	sdelay $0x1  }
0x5e: {  	v12 =	vmul.f32 v14, v12;
	_ =	sdelay $0x1  }
0x5f: {  	v14 =	vmul.f32 v12, v12;
	_ =	sdelay $0x1  }
0x60: {  	v13 =	vsub.f32 v13, v14;
	_ =	sdelay $0x1  }
0x61: {  	(erf) = vrcp.f32 v13;
	_ =	sdelay $0x2  }
0x62: {  	v18 =	vld.idx.msk [tilespmem:v10+s15+$0x0], $0xffff  }
0x63: {  	v11 =	vld.idx.msk [tilespmem:v11+s15+$0x0], $0xffff;
	_ =	sdelay $0x4  }
0x64: {  	v10 =	vadd.f32 $1.000000000e+00, v18;
	v14 =	vpop (erf)  }
0x65: {  	v19 =	vadd.f32 $1.000000000e+00, v11;
	v17 =	vmul.f32 v14, v13  }
0x66: {  	v10 =	vmul.f32 v10, v6  }
0x67: {  	v19 =	vmul.f32 v19, v6;
	v17 =	vsub.f32 $2.000000000e+00, v17  }
0x68: {  	v10 =	vmul.f32 $3.510000000e+02, v10  }
0x69: {  	v14 =	vmul.f32 v17, v14;
	v17 =	vmul.f32 $1.270000000e+02, v19  }
0x6a: {  	v10 =	vadd.f32 $1.258291200e+07, v10  }
0x6b: {  	v9 =	vshll.u32 v9, $0x4;
	v13 =	vmul.f32 v14, v13;
	v17 =	vadd.f32 $1.258291200e+07, v17  }
0x6c: {  	v19 =	vor.u32 $0x1, v9;
	v10 =	vadd.f32 $-1.258291200e+07, v10  }
0x6d: {  	v20 =	vor.u32 $0x2, v9;
	v13 =	vsub.f32 $2.000000000e+00, v13;
	v17 =	vadd.f32 $-1.258291200e+07, v17  }
0x6e: {  	v21 =	vor.u32 $0x3, v9;
	v22 =	vor.u32 $0x4, v9;
	v10 =	vmax.f32 v10, $1.200000000e+01  }
0x6f: {  	v10 =	vmin.f32 v10, $3.390000000e+02;
	v23 =	vmul.f32 v13, v14;
	v13 =	vmax.f32 v17, $1.200000000e+01  }
0x70: {  	v14 =	vor.u32 $0x5, v9;
	v17 =	vmin.f32 v13, $1.150000000e+02;
	[tilespmem:v9+s10+$0x0] =	vst.idx.msk $0xffff, v10;
	v13 =	vor.u32 $0x6, v9  }
.Ltmp0:
0x71: {  	v9 =	vor.u32 s18, v0;
	v24 =	vmul.f32 v23, v15;
	v25 =	vmul.f32 v23, v16;
	[tilespmem:v19+s10+$0x0] =	vst.idx.msk $0xffff, v17;
	(pc) =	sbr.rel @p1 .LBB2_3-.Ltmp0, $4  }
0x72: {  	v10 =	vshll.u32 v9, $0x3;
	v17 =	vmul.f32 v23, v12;
	[tilespmem:v20+s10+$0x0] =	vst.idx.msk $0xffff, v18  }
0x73: {  	v16 =	vor.u32 $0x2, v10;
	v15 =	vor.u32 $0x3, v10;
	v19 =	vmul.f32 $-5.000000000e-01, v24;
	[tilespmem:v21+s10+$0x0] =	vst.idx.msk $0xffff, v11  }
0x74: {  	v12 =	vor.u32 $0x4, v10;
	v11 =	vor.u32 $0x1, v10;
	v18 =	vmul.f32 $-5.000000000e-01, v25  }
0x75: {  	[tilespmem:v22+s10+$0x0] =	vst.idx.msk $0xffff, v19  }
0x76: {  	_ =	sdelay $0x3  }
0x77: {  	[tilespmem:v14+s10+$0x0] =	vst.idx.msk $0xffff, v17  }
0x78: {  	[tilespmem:v13+s10+$0x0] =	vst.idx.msk $0xffff, v18  }
0x79: {  	v13 =	vld.idx.msk [tilespmem:v16+s15+$0x0], $0xffff  }
0x7a: {  	v14 =	vld.idx.msk [tilespmem:v15+s15+$0x0], $0xffff;
	_ =	sdelay $0x4  }
0x7b: {  	v15 =	vmul.f32 v14, v13;
	_ =	sdelay $0x1  }
0x7c: {  	v54 =	vshra.s32 v15, $0x1;
	v55 =	vmul.f32 $5.000000000e-01, v15  }
0x7d: {  	v16 =	vsub.s32 $0x5F3759DF, v54  }
0x7e: {  	v56 =	vmul.f32 v16, v55;
	_ =	sdelay $0x1  }
0x7f: {  	v18 =	vmul.f32 v16, v56;
	_ =	sdelay $0x1  }
0x80: {  	v18 =	vsub.f32 $1.500000000e+00, v18;
	_ =	sdelay $0x1  }
0x81: {  	v16 =	vmul.f32 v16, v18;
	_ =	sdelay $0x1  }
0x82: {  	v18 =	vmul.f32 v16, v55;
	_ =	sdelay $0x1  }
0x83: {  	v18 =	vmul.f32 v18, v16;
	_ =	sdelay $0x1  }
0x84: {  	v18 =	vsub.f32 $1.500000000e+00, v18;
	_ =	sdelay $0x1  }
0x85: {  	v16 =	vmul.f32 v18, v16;
	_ =	sdelay $0x1  }
0x86: {  	v17 =	vmul.f32 v16, v55;
	_ =	sdelay $0x1  }
0x87: {  	v17 =	vmul.f32 v17, v16;
	_ =	sdelay $0x1  }
0x88: {  	v17 =	vsub.f32 $1.500000000e+00, v17  }
0x89: {  	v12 =	vld.idx.msk [tilespmem:v12+s15+$0x0], $0xffff  }
0x8a: {  	v16 =	vmul.f32 v17, v16;
	_ =	sdelay $0x1  }
0x8b: {  	v16 =	vmul.f32 v16, v15;
	_ =	sdelay $0x1  }
0x8c: {  	v12 =	vmul.f32 v16, v12;
	_ =	sdelay $0x1  }
0x8d: {  	v16 =	vmul.f32 v12, v12;
	_ =	sdelay $0x1  }
0x8e: {  	v15 =	vsub.f32 v15, v16;
	_ =	sdelay $0x1  }
0x8f: {  	(erf) = vrcp.f32 v15;
	_ =	sdelay $0x4  }
0x90: {  	v10 =	vld.idx.msk [tilespmem:v10+s15+$0x0], $0xffff  }
0x91: {  	v11 =	vld.idx.msk [tilespmem:v11+s15+$0x0], $0xffff;
	_ =	sdelay $0x2  }
0x92: {  	v57 =	vpop (erf)  }
0x93: {  	v58 =	vadd.f32 $1.000000000e+00, v10;
	v59 =	vmul.f32 v57, v15  }
0x94: {  	v19 =	vadd.f32 $1.000000000e+00, v11  }
0x95: {  	v17 =	vmul.f32 v58, v6;
	v18 =	vsub.f32 $2.000000000e+00, v59  }
0x96: {  	v19 =	vmul.f32 v19, v6  }
0x97: {  	v17 =	vmul.f32 $3.510000000e+02, v17;
	v16 =	vmul.f32 v18, v57  }
0x98: {  	v60 =	vmul.f32 $1.270000000e+02, v19  }
0x99: {  	v17 =	vadd.f32 $1.258291200e+07, v17;
	v15 =	vmul.f32 v16, v15  }
0x9a: {  	v9 =	vshll.u32 v9, $0x4;
	v18 =	vadd.f32 $1.258291200e+07, v60  }
0x9b: {  	v61 =	vor.u32 $0x1, v9;
	v17 =	vadd.f32 $-1.258291200e+07, v17;
	v15 =	vsub.f32 $2.000000000e+00, v15  }
0x9c: {  	v20 =	vor.u32 $0x2, v9;
	v18 =	vadd.f32 $-1.258291200e+07, v18  }
0x9d: {  	v21 =	vor.u32 $0x3, v9;
	v17 =	vmax.f32 v17, $1.200000000e+01;
	v15 =	vmul.f32 v15, v16  }
0x9e: {  	v62 =	vor.u32 $0x4, v9;
	v17 =	vmin.f32 v17, $3.390000000e+02;
	v18 =	vmax.f32 v18, $1.200000000e+01  }
0x9f: {  	v63 =	vor.u32 $0x5, v9;
	[tilespmem:v9+s10+$0x0] =	vst.idx.msk $0xffff, v17;
	v18 =	vmin.f32 v18, $1.150000000e+02;
	v14 =	vmul.f32 v15, v14  }
0xa0: {  	v9 =	vor.u32 $0x6, v9;
	[tilespmem:v61+s10+$0x0] =	vst.idx.msk $0xffff, v18  }
0xa1: {  	[tilespmem:v20+s10+$0x0] =	vst.idx.msk $0xffff, v10;
	v13 =	vmul.f32 v15, v13;
	v10 =	vmul.f32 $-5.000000000e-01, v14  }
0xa2: {  	v12 =	vmul.f32 v15, v12;
	[tilespmem:v21+s10+$0x0] =	vst.idx.msk $0xffff, v11  }
0xa3: {  	v11 =	vmul.f32 $-5.000000000e-01, v13;
	[tilespmem:v62+s10+$0x0] =	vst.idx.msk $0xffff, v10  }
0xa4: {  	[tilespmem:v63+s10+$0x0] =	vst.idx.msk $0xffff, v12  }
0xa5: {  	[tilespmem:v9+s10+$0x0] =	vst.idx.msk $0xffff, v11  }
.LBB2_5:
0xa6: {  	s0 =	sshll.u32 s15, $0x4  }
0xa7: {  	s0 =	sand.u32 $0x3FFFFFF0, s0  }
0xa8: {  	v9 =	vld [tilespmem:s0+$0x1880];
	_ =	sdelay $0x4  }
0xa9: {  	(v2sf) =	vpush v9, $0x0;
	_ =	sdelay $0x5  }
0xaa: {  	(v2sf) =	vpush v9, $0x2  }
0xab: {  	(v2sf) =	vpush v9, $0x4  }
0xac: {  	(v2sf) =	vpush v9, $0x5;
	_ =	sdelay $0x4  }
0xad: {  	s26 =	simm.s32 $0xFFFFFFF4  }
0xae: {  	s0 =	scvt.s32.f32 s26;
	v12 =	vbroadcast v9, $0x1  }
0xaf: {  	s17 =	spop (v2sf)  }
0xb0: {  	v10 =	vadd.f32 v1, v12;
	s0 =	sadd.f32 s0, s17;
	_ =	sdelay $0x1  }
0xb1: {  	v10 =	vmul.f32 $1.574803140e-02, v10;
	s0 =	smul.f32 $5.698005670e-03, s0;
	_ =	sdelay $0x1  }
0xb2: {  	v13 =	vbroadcast v9, $0x3;
	v10 =	vadd.f32 $-1.000000000e+00, v10;
	s0 =	sadd.f32 $-1.000000000e+00, s0  }
0xb3: {  	s19 =	spop (v2sf)  }
0xb4: {  	v14 =	vbroadcast v9, $0x6;
	v10 =	vsub.f32 v10, v13;
	s20 =	spop (v2sf);
	s0 =	ssub.f32 s0, s19  }
0xb5: {  	s21 =	spop (v2sf)  }
0xb6: {  	v11 =	vmul.f32 v10, v14;
	s1 =	smul.f32 s0, s21;
	_ =	sdelay $0x1  }
0xb7: {  	v11 =	vmul.f32 v11, v10;
	s2 =	smul.f32 s0, s20;
	v15 =	vmul.f32 s1, v10;
	_ =	sdelay $0x1  }
0xb8: {  	s0 =	smul.f32 s2, s0;
	v15 =	vadd.f32 v15, v11;
	_ =	sdelay $0x1  }
0xb9: {  	v15 =	vadd.f32 s0, v15  }
0xba: {  	s18 =	simm.f32 $-1.000000020e+30  }
0xbb: {  	vm3 =	vgt.f32 v15, s18  }
0xbc: {  	v16 =	vsel vm3, $0x3F800000, v4  }
0xbd: {  	(xrf0) =	vmax.scan.msk.f32 $0xffff, v16;
	_ =	sdelay $0x5  }
0xbe: {  	v16, _, _ =	vpop (xrf0)  }
0xbf: {  	(v2sf) =	vpush v16, $0xF;
	_ =	sdelay $0xe  }
0xc0: {  	s28 =	spop (v2sf)  }
0xc1: {  	p1 =	sgt.f32 s28, $0.0e+00  }
0xc2: {  	s22 =	simm.s32 $0x0  }
0xc3: {  	v16 =	vmov s22;
	v17 =	vlaneseq.u32 @p1  }
0xc4: {  	v16 =	vadd.s32 @p1 v17, v16  }
0xc5: {  	(xrf1) =	vsort.dscd.msk.f32 @p1 $0xffff, v15, v16;
	_ =	sdelay $0xb  }
0xc6: {  	v15 =	vmul.u32 @p1 $0xFFFFFFFF, v17;
	_ =	sdelay $0x1  }
0xc7: {  	v15 =	vadd.s32 @p1 $0xF, v15;
	v16, v17, _ =	vpop @p1 (xrf1)  }
0xc8: {  	v16 =	vperm.xlane @p1 v16, v15  }
0xc9: {  	v18 =	vimm.f32 $-1.000000020e+30;
	v17 =	vperm.xlane @p1 v17, v15  }
0xca: {  	v19 =	vimm.s32 $0x0;
	vm3 =	vge.f32 @p1 v18, v16  }
0xcb: {  	v16 =	vsel @p1 vm3, v18, v16;
	v17 =	vsel @p1 vm3, v19, v17  }
0xcc: {  	(xrf1) =	vsort.dscd.msk.f32 @p1 $0xffff, v16, v17;
	_ =	sdelay $0xd  }
0xcd: {  	v16, v17, _ =	vpop @p1 (xrf1)  }
0xce: {  	v16 =	vperm.xlane @p1 v16, v15  }
0xcf: {  	v15 =	vperm.xlane @p1 v17, v15  }
0xd0: {  	vm3 =	vge.f32 @p1 v18, v16  }
0xd1: {  	v17 =	vsel @p1 vm3, v16, v18;
	v20 =	vsel @p1 vm3, v15, v19  }
0xd2: {  	(xrf1) =	vsort.dscd.msk.f32 @p1 $0xffff, v17, v20;
	_ =	sdelay $0x7  }
0xd3: {  	v12 =	vadd.f32 v2, v12;
	_ =	sdelay $0x1  }
0xd4: {  	v12 =	vmul.f32 $1.574803140e-02, v12;
	_ =	sdelay $0x1  }
0xd5: {  	v12 =	vadd.f32 $-1.000000000e+00, v12;
	_ =	sdelay $0x1  }
0xd6: {  	v12 =	vsub.f32 v12, v13;
	v17, v20, _ =	vpop @p1 (xrf1)  }
0xd7: {  	(xrf0) =	vmin.scan.msk.f32 @p1 $0xffff, v17  }
0xd8: {  	v13 =	vmul.f32 v12, v14;
	_ =	sdelay $0x1  }
0xd9: {  	v13 =	vmul.f32 v13, v12;
	v14 =	vmul.f32 s1, v12;
	_ =	sdelay $0x1  }
0xda: {  	v14 =	vadd.f32 v14, v13  }
0xdb: {  	v21, _, _ =	vpop @p1 (xrf0)  }
0xdc: {  	v14 =	vadd.f32 s0, v14;
	v22 =	vbroadcast @p1 v21, $0xF  }
0xdd: {  	v23 =	vmov s18  }
0xde: {  	v14 =	vnsel vm15, $0xF149F2CA, v14;
	v22 =	vpsel p1, v22, v23  }
0xdf: {  	vm5 =	vgt.f32 v14, v22  }
0xe0: {  	v22 =	vsel vm5, $0x3F800000, v4  }
0xe1: {  	(xrf0) =	vmax.scan.msk.f32 $0xffff, v22;
	_ =	sdelay $0x5  }
0xe2: {  	(v2sf) =	vpush @p1 v21, $0xF;
	v62, _, _ =	vpop (xrf0)  }
0xe3: {  	(v2sf) =	vpush v62, $0xF;
	_ =	sdelay $0xd  }
0xe4: {  	s0 =	spop @p1 (v2sf)  }
0xe5: {  	s29 =	spop (v2sf)  }
0xe6: {  	v16 =	vsel @p1 vm3, v18, v16;
	v15 =	vsel @p1 vm3, v19, v15;
	p3 =	sgt.f32 s29, $0.0e+00  }
0xe7: {  	(xrf1) =	vsort.dscd.msk.f32 @p1 $0xffff, v16, v15;
	v15 =	vadd.s32 s22, v3  }
0xe8: {  	(xrf1) =	vsort.dscd.msk.f32 @p3 $0xffff, v14, v15;
	_ =	sdelay $0xa  }
0xe9: {  	v14 =	vlaneseq.u32 @p3  }
0xea: {  	v14 =	vmul.u32 @p3 $0xFFFFFFFF, v14  }
0xeb: {  	v15, v16, _ =	vpop @p1 (xrf1)  }
0xec: {  	v14 =	vadd.s32 @p3 $0xF, v14;
	v21, v22, _ =	vpop @p3 (xrf1)  }
0xed: {  	v21 =	vperm.xlane @p3 v21, v14  }
0xee: {  	v17 =	vpsel p1, v17, v18;
	v22 =	vperm.xlane @p3 v22, v14  }
0xef: {  	v20 =	vpsel p1, v20, v19;
	vm3 =	vge.f32 @p3 v17, v21  }
0xf0: {  	v21 =	vsel @p3 vm3, v17, v21;
	v22 =	vsel @p3 vm3, v20, v22  }
0xf1: {  	(xrf1) =	vsort.dscd.msk.f32 @p3 $0xffff, v21, v22;
	_ =	sdelay $0xd  }
0xf2: {  	v21, v22, _ =	vpop @p3 (xrf1)  }
0xf3: {  	v21 =	vperm.xlane @p3 v21, v14  }
0xf4: {  	v15 =	vpsel p1, v15, v18;
	v14 =	vperm.xlane @p3 v22, v14  }
0xf5: {  	v18 =	vpsel p1, v16, v19;
	vm3 =	vge.f32 @p3 v15, v21  }
0xf6: {  	v16 =	vsel @p3 vm3, v21, v15;
	v19 =	vsel @p3 vm3, v14, v18  }
0xf7: {  	(xrf1) =	vsort.dscd.msk.f32 @p3 $0xffff, v16, v19;
	_ =	sdelay $0xd  }
0xf8: {  	v16, v19, _ =	vpop @p3 (xrf1)  }
0xf9: {  	(xrf0) =	vmin.scan.msk.f32 @p3 $0xffff, v16;
	_ =	sdelay $0x2  }
0xfa: {  	v14 =	vsel @p3 vm3, v18, v14  }
0xfb: {  	s30 =	simm.s32 $0xFFFFFFF5  }
0xfc: {  	s1 =	scvt.s32.f32 s30;
	v21 =	vsel @p3 vm3, v15, v21  }
0xfd: {  	(xrf1) =	vsort.dscd.msk.f32 @p3 $0xffff, v21, v14;
	v14, _, _ =	vpop @p3 (xrf0)  }
0xfe: {  	s1 =	sadd.f32 s1, s17;
	(v2sf) =	vpush @p3 v14, $0xF;
	_ =	sdelay $0x1  }
0xff: {  	s1 =	smul.f32 $5.698005670e-03, s1;
	_ =	sdelay $0x1  }
0x100: {  	s1 =	sadd.f32 $-1.000000000e+00, s1;
	_ =	sdelay $0x1  }
0x101: {  	s1 =	ssub.f32 s1, s19;
	_ =	sdelay $0x1  }
0x102: {  	s31 =	smul.f32 s1, s21;
	_ =	sdelay $0x1  }
0x103: {  	s3 =	smul.f32 s1, s20;
	v14 =	vmul.f32 s31, v10  }
0x104: {  	v63 =	vmul.f32 s31, v12  }
0x105: {  	s1 =	smul.f32 s3, s1;
	v24 =	vadd.f32 v14, v11  }
0x106: {  	v21 =	vadd.f32 v63, v13  }
0x107: {  	v17 =	vpsel p3, v16, v17;
	v16 =	vpsel p3, v19, v20;
	v19 =	vadd.f32 s1, v24;
	v22, v23, _ =	vpop @p3 (xrf1)  }
0x108: {  	s23 =	simm.s32 $0xFFFFFFF6;
	s18 =	smov.u32 @p1 s0;
	v14 =	vpsel p3, v22, v15;
	v15 =	vpsel p3, v23, v18;
	v18 =	vadd.f32 s1, v21;
	s0 =	spop @p3 (v2sf)  }
.LBB2_6:
0x109: {  	s18 =	smov.u32 @p3 s0  }
0x10a: {  	s22 =	sadd.s32 $0x19, s22;
	s24 =	smov.u32 s23;
	s23 =	sadd.s32 $0x1, s23  }
0x10b: {  	p1 =	sne.s32 s23, $0xD;
	vm3 =	vgt.f32 v19, s18  }
0x10c: {  	v20 =	vsel vm3, $0x3F800000, v4  }
0x10d: {  	(xrf0) =	vmax.scan.msk.f32 $0xffff, v20;
	_ =	sdelay $0x5  }
0x10e: {  	v20, _, _ =	vpop (xrf0)  }
0x10f: {  	(v2sf) =	vpush v20, $0xF;
	_ =	sdelay $0xe  }
0x110: {  	s0 =	spop (v2sf)  }
0x111: {  	p2 =	sgt.f32 s0, $0.0e+00;
	_ =	sdelay $0x1  }
0x112: {  	v20 =	vmov s22;
	v21 =	vlaneseq.u32 @p2  }
0x113: {  	v20 =	vadd.s32 @p2 v21, v20;
	v21 =	vmul.u32 @p2 $0xFFFFFFFF, v21  }
0x114: {  	(xrf1) =	vsort.dscd.msk.f32 @p2 $0xffff, v19, v20;
	_ =	sdelay $0xd  }
0x115: {  	v19 =	vadd.s32 @p2 $0xF, v21;
	v20, v21, _ =	vpop @p2 (xrf1)  }
0x116: {  	v20 =	vperm.xlane @p2 v20, v19;
	v21 =	vperm.xlane @p2 v21, v19;
	_ =	sdelay $0x1  }
0x117: {  	vm3 =	vge.f32 @p2 v17, v20  }
0x118: {  	v20 =	vsel @p2 vm3, v17, v20;
	v21 =	vsel @p2 vm3, v16, v21  }
0x119: {  	(xrf1) =	vsort.dscd.msk.f32 @p2 $0xffff, v20, v21;
	_ =	sdelay $0xd  }
0x11a: {  	v20, v21, _ =	vpop @p2 (xrf1)  }
0x11b: {  	v20 =	vperm.xlane @p2 v20, v19;
	v19 =	vperm.xlane @p2 v21, v19;
	_ =	sdelay $0x1  }
0x11c: {  	vm3 =	vge.f32 @p2 v14, v20  }
0x11d: {  	v21 =	vsel @p2 vm3, v14, v20;
	v20 =	vsel @p2 vm3, v20, v14;
	v22 =	vsel @p2 vm3, v19, v15  }
0x11e: {  	v19 =	vsel @p2 vm3, v15, v19;
	(xrf1) =	vsort.dscd.msk.f32 @p2 $0xffff, v20, v22  }
0x11f: {  	(xrf1) =	vsort.dscd.msk.f32 @p2 $0xffff, v21, v19;
	_ =	sdelay $0xc  }
0x120: {  	v19, v20, _ =	vpop @p2 (xrf1)  }
0x121: {  	v21, v22, _ =	vpop @p2 (xrf1);
	(xrf0) =	vmin.scan.msk.f32 @p2 $0xffff, v19;
	_ =	sdelay $0x5  }
0x122: {  	v23, _, _ =	vpop @p2 (xrf0)  }
0x123: {  	v24 =	vbroadcast @p2 v23, $0xF;
	(v2sf) =	vpush @p2 v23, $0xF  }
0x124: {  	v23 =	vmov s18  }
0x125: {  	v18 =	vnsel vm15, $0xF149F2CA, v18;
	v23 =	vpsel p2, v24, v23  }
0x126: {  	vm3 =	vgt.f32 v18, v23  }
0x127: {  	v23 =	vsel vm3, $0x3F800000, v4  }
0x128: {  	(xrf0) =	vmax.scan.msk.f32 $0xffff, v23;
	_ =	sdelay $0x5  }
0x129: {  	v23, _, _ =	vpop (xrf0)  }
0x12a: {  	(v2sf) =	vpush v23, $0xF;
	_ =	sdelay $0x2  }
0x12b: {  	s0 =	spop @p2 (v2sf)  }
0x12c: {  	s18 =	smov.u32 @p2 s0;
	_ =	sdelay $0xa  }
0x12d: {  	s0 =	spop (v2sf)  }
0x12e: {  	p3 =	sgt.f32 s0, $0.0e+00  }
0x12f: {  	v23 =	vadd.s32 s22, v3  }
0x130: {  	v24 =	vlaneseq.u32 @p3;
	(xrf1) =	vsort.dscd.msk.f32 @p3 $0xffff, v18, v23  }
0x131: {  	v18 =	vmul.u32 @p3 $0xFFFFFFFF, v24;
	_ =	sdelay $0xc  }
0x132: {  	v18 =	vadd.s32 @p3 $0xF, v18;
	v23, v24, _ =	vpop @p3 (xrf1)  }
0x133: {  	v23 =	vperm.xlane @p3 v23, v18;
	v24 =	vperm.xlane @p3 v24, v18  }
0x134: {  	v17 =	vpsel p2, v19, v17  }
0x135: {  	v16 =	vpsel p2, v20, v16;
	vm3 =	vge.f32 @p3 v17, v23  }
0x136: {  	v19 =	vsel @p3 vm3, v17, v23;
	v20 =	vsel @p3 vm3, v16, v24  }
0x137: {  	(xrf1) =	vsort.dscd.msk.f32 @p3 $0xffff, v19, v20;
	_ =	sdelay $0xd  }
0x138: {  	v19, v20, _ =	vpop @p3 (xrf1)  }
0x139: {  	v19 =	vperm.xlane @p3 v19, v18;
	v18 =	vperm.xlane @p3 v20, v18  }
0x13a: {  	v14 =	vpsel p2, v21, v14  }
0x13b: {  	v15 =	vpsel p2, v22, v15;
	vm3 =	vge.f32 @p3 v14, v19  }
0x13c: {  	v20 =	vsel @p3 vm3, v14, v19;
	v19 =	vsel @p3 vm3, v19, v14;
	v21 =	vsel @p3 vm3, v18, v15  }
0x13d: {  	v18 =	vsel @p3 vm3, v15, v18;
	(xrf1) =	vsort.dscd.msk.f32 @p3 $0xffff, v19, v21  }
0x13e: {  	(xrf1) =	vsort.dscd.msk.f32 @p3 $0xffff, v20, v18;
	_ =	sdelay $0xc  }
0x13f: {  	v18, v19, _ =	vpop @p3 (xrf1)  }
0x140: {  	v17 =	vpsel p3, v18, v17;
	v16 =	vpsel p3, v19, v16;
	v19, v20, _ =	vpop @p3 (xrf1);
	(xrf0) =	vmin.scan.msk.f32 @p3 $0xffff, v18  }
0x141: {  	v14 =	vpsel p3, v19, v14;
	v15 =	vpsel p3, v20, v15;
	_ =	sdelay $0x4  }
0x142: {  	s0 =	scvt.s32.f32 s24;
	v18, _, _ =	vpop @p3 (xrf0)  }
0x143: {  	(v2sf) =	vpush @p3 v18, $0xF  }
0x144: {  	s0 =	sadd.f32 s0, s17;
	_ =	sdelay $0x1  }
0x145: {  	s0 =	smul.f32 $5.698005670e-03, s0;
	_ =	sdelay $0x1  }
0x146: {  	s0 =	sadd.f32 $-1.000000000e+00, s0;
	_ =	sdelay $0x1  }
0x147: {  	s0 =	ssub.f32 s0, s19;
	_ =	sdelay $0x1  }
0x148: {  	s1 =	smul.f32 s0, s21  }
0x149: {  	s2 =	smul.f32 s0, s20  }
.Ltmp1:
0x14a: {  	v19 =	vmul.f32 s1, v12;
	v18 =	vmul.f32 s1, v10;
	(pc) =	sbr.rel @p1 .LBB2_6-.Ltmp1, $3  }
0x14b: {  	s0 =	smul.f32 s2, s0  }
0x14c: {  	v20 =	vadd.f32 v19, v13;
	v18 =	vadd.f32 v18, v11;
	_ =	sdelay $0x1  }
0x14d: {  	v19 =	vadd.f32 s0, v18;
	v18 =	vadd.f32 s0, v20;
	s0 =	spop @p3 (v2sf)  }
0x14e: {  	s18 =	smov.u32 @p3 s0  }
0x14f: {  	vm3 =	vgt.f32 v19, s18  }
0x150: {  	v10 =	vsel vm3, $0x3F800000, v4  }
0x151: {  	(xrf0) =	vmax.scan.msk.f32 $0xffff, v10;
	_ =	sdelay $0x5  }
0x152: {  	v10, _, _ =	vpop (xrf0)  }
0x153: {  	(v2sf) =	vpush v10, $0xF;
	_ =	sdelay $0xe  }
0x154: {  	s20 =	spop (v2sf)  }
0x155: {  	p2 =	sgt.f32 s20, $0.0e+00  }
0x156: {  	s21 =	sadd.s32 $0x19, s22  }
0x157: {  	v10 =	vmov s21;
	v11 =	vlaneseq.u32 @p2  }
0x158: {  	v10 =	vadd.s32 @p2 v11, v10  }
0x159: {  	(xrf1) =	vsort.dscd.msk.f32 @p2 $0xffff, v19, v10;
	_ =	sdelay $0xb  }
0x15a: {  	v10 =	vmul.u32 @p2 $0xFFFFFFFF, v11;
	_ =	sdelay $0x1  }
0x15b: {  	v10 =	vadd.s32 @p2 $0xF, v10;
	v11, v12, _ =	vpop @p2 (xrf1)  }
0x15c: {  	v11 =	vperm.xlane @p2 v11, v10  }
0x15d: {  	v12 =	vperm.xlane @p2 v12, v10  }
0x15e: {  	vm3 =	vge.f32 @p2 v17, v11  }
0x15f: {  	v11 =	vsel @p2 vm3, v17, v11;
	v12 =	vsel @p2 vm3, v16, v12  }
0x160: {  	(xrf1) =	vsort.dscd.msk.f32 @p2 $0xffff, v11, v12;
	_ =	sdelay $0xd  }
0x161: {  	v11, v12, _ =	vpop @p2 (xrf1)  }
0x162: {  	v11 =	vperm.xlane @p2 v11, v10  }
0x163: {  	v10 =	vperm.xlane @p2 v12, v10  }
0x164: {  	vm3 =	vge.f32 @p2 v14, v11  }
0x165: {  	v12 =	vsel @p2 vm3, v11, v14;
	v13 =	vsel @p2 vm3, v10, v15  }
0x166: {  	(xrf1) =	vsort.dscd.msk.f32 @p2 $0xffff, v12, v13;
	_ =	sdelay $0xd  }
0x167: {  	v12, v13, _ =	vpop @p2 (xrf1)  }
0x168: {  	(xrf0) =	vmin.scan.msk.f32 @p2 $0xffff, v12;
	_ =	sdelay $0x5  }
0x169: {  	v19, _, _ =	vpop @p2 (xrf0)  }
0x16a: {  	v20 =	vbroadcast @p2 v19, $0xF  }
0x16b: {  	v21 =	vmov s18  }
0x16c: {  	v18 =	vnsel vm15, $0xF149F2CA, v18;
	v20 =	vpsel p2, v20, v21  }
0x16d: {  	vm5 =	vgt.f32 v18, v20  }
0x16e: {  	v20 =	vsel vm5, $0x3F800000, v4  }
0x16f: {  	(xrf0) =	vmax.scan.msk.f32 $0xffff, v20;
	_ =	sdelay $0x5  }
0x170: {  	(v2sf) =	vpush @p2 v19, $0xF;
	v28, _, _ =	vpop (xrf0)  }
0x171: {  	(v2sf) =	vpush v28, $0xF;
	_ =	sdelay $0xd  }
0x172: {  	s1 =	spop @p2 (v2sf)  }
0x173: {  	s1 =	spop (v2sf)  }
0x174: {  	v11 =	vsel @p2 vm3, v14, v11;
	v10 =	vsel @p2 vm3, v15, v10;
	p1 =	sgt.f32 s1, $0.0e+00  }
0x175: {  	(xrf1) =	vsort.dscd.msk.f32 @p2 $0xffff, v11, v10;
	v10 =	vadd.s32 s21, v3  }
0x176: {  	(xrf1) =	vsort.dscd.msk.f32 @p1 $0xffff, v18, v10;
	_ =	sdelay $0xa  }
0x177: {  	v10 =	vlaneseq.u32 @p1  }
0x178: {  	v10 =	vmul.u32 @p1 $0xFFFFFFFF, v10  }
0x179: {  	v11, v18, _ =	vpop @p2 (xrf1)  }
0x17a: {  	v10 =	vadd.s32 @p1 $0xF, v10;
	v19, v20, _ =	vpop @p1 (xrf1)  }
0x17b: {  	v19 =	vperm.xlane @p1 v19, v10  }
0x17c: {  	v17 =	vpsel p2, v12, v17;
	v20 =	vperm.xlane @p1 v20, v10  }
0x17d: {  	v12 =	vpsel p2, v13, v16;
	vm3 =	vge.f32 @p1 v17, v19  }
0x17e: {  	v13 =	vsel @p1 vm3, v17, v19;
	v16 =	vsel @p1 vm3, v12, v20  }
0x17f: {  	(xrf1) =	vsort.dscd.msk.f32 @p1 $0xffff, v13, v16;
	_ =	sdelay $0xd  }
0x180: {  	v13, v16, _ =	vpop @p1 (xrf1)  }
0x181: {  	v13 =	vperm.xlane @p1 v13, v10  }
0x182: {  	v11 =	vpsel p2, v11, v14;
	v10 =	vperm.xlane @p1 v16, v10  }
0x183: {  	v14 =	vpsel p2, v18, v15;
	vm3 =	vge.f32 @p1 v11, v13  }
0x184: {  	v15 =	vsel @p1 vm3, v13, v11;
	v16 =	vsel @p1 vm3, v10, v14  }
0x185: {  	v13 =	vsel @p1 vm3, v11, v13;
	v10 =	vsel @p1 vm3, v14, v10;
	(xrf1) =	vsort.dscd.msk.f32 @p1 $0xffff, v15, v16  }
0x186: {  	(xrf1) =	vsort.dscd.msk.f32 @p1 $0xffff, v13, v10;
	_ =	sdelay $0xc  }
0x187: {  	v10, v13, _ =	vpop @p1 (xrf1)  }
0x188: {  	v15, v16, _ =	vpop @p1 (xrf1)  }
0x189: {  	(xrf0) =	vmin.scan.msk.f32 @p1 $0xffff, v10;
	v11 =	vpsel p1, v15, v11  }
0x18a: {  	(xrf0) =	vmax.scan.msk.f32 $0xffff, v11;
	_ =	sdelay $0x4  }
0x18b: {  	v15, _, _ =	vpop @p1 (xrf0)  }
0x18c: {  	v29, _, _ =	vpop (xrf0)  }
0x18d: {  	v18 =	vbroadcast v29, $0xF  }
0x18e: {  	v10 =	vpsel p1, v10, v17  }
0x18f: {  	v11 =	vsub.f32 v11, v18;
	v10 =	vsub.f32 v10, v18;
	_ =	sdelay $0x1  }
0x190: {  	v11 =	vmul.f32 $1.442695020e+00, v11;
	v10 =	vmul.f32 $1.442695020e+00, v10;
	_ =	sdelay $0x1  }
0x191: {  	v11 =	vmax.f32 v11, $-1.260000000e+02;
	v10 =	vmax.f32 v10, $-1.260000000e+02  }
0x192: {  	v30 =	vadd.f32 $1.258291200e+07, v11;
	v31 =	vadd.f32 $1.258291200e+07, v10;
	_ =	sdelay $0x1  }
0x193: {  	v17 =	vadd.f32 $-1.258291200e+07, v30;
	v18 =	vadd.f32 $-1.258291200e+07, v31;
	_ =	sdelay $0x1  }
0x194: {  	v11 =	vsub.f32 v11, v17;
	v10 =	vsub.f32 v10, v18;
	_ =	sdelay $0x1  }
0x195: {  	v32 =	vmul.f32 $1.326091470e-03, v11;
	v33 =	vmul.f32 $1.326091470e-03, v10;
	_ =	sdelay $0x1  }
0x196: {  	v19 =	vadd.f32 $9.670180270e-03, v32;
	v20 =	vadd.f32 $9.670180270e-03, v33;
	_ =	sdelay $0x1  }
0x197: {  	v19 =	vmul.f32 v19, v11;
	v20 =	vmul.f32 v20, v10;
	_ =	sdelay $0x1  }
0x198: {  	v19 =	vadd.f32 $5.550712350e-02, v19;
	v20 =	vadd.f32 $5.550712350e-02, v20;
	_ =	sdelay $0x1  }
0x199: {  	v19 =	vmul.f32 v19, v11;
	v20 =	vmul.f32 v20, v10;
	_ =	sdelay $0x1  }
0x19a: {  	v19 =	vadd.f32 $2.402222450e-01, v19;
	v20 =	vadd.f32 $2.402222450e-01, v20;
	_ =	sdelay $0x1  }
0x19b: {  	v19 =	vmul.f32 v19, v11;
	v20 =	vmul.f32 v20, v10  }
0x19c: {  	v17 =	vtrunc.f32 v17  }
0x19d: {  	v18 =	vtrunc.f32 v18;
	v19 =	vadd.f32 $6.931470030e-01, v19;
	v34 =	vadd.f32 $6.931470030e-01, v20  }
0x19e: {  	v17 =	vcvt.f32.s32 v17;
	v18 =	vcvt.f32.s32 v18  }
0x19f: {  	v11 =	vmul.f32 v19, v11;
	v10 =	vmul.f32 v34, v10  }
0x1a0: {  	v17 =	vshll.u32 v17, $0x17  }
0x1a1: {  	v18 =	vshll.u32 v18, $0x17;
	v11 =	vadd.f32 $1.000000000e+00, v11;
	v10 =	vadd.f32 $1.000000000e+00, v10  }
0x1a2: {  	v17 =	vadd.s32 $0x3F800000, v17;
	v18 =	vadd.s32 $0x3F800000, v18  }
0x1a3: {  	v11 =	vmul.f32 v17, v11;
	v10 =	vmul.f32 v18, v10;
	_ =	sdelay $0x1  }
0x1a4: {  	v10 =	vnsel vm15, $0x0, v10;
	(xrf2) =	vadd.scan.msk.f32 $0xffff, v11  }
0x1a5: {  	(xrf2) =	vadd.scan.msk.f32 $0xffff, v10;
	_ =	sdelay $0x7  }
0x1a6: {  	(v2sf) =	vpush @p1 v15, $0xF  }
0x1a7: {  	(v2sf) =	vpush v9, $0x1;
	v35, _, _ =	vpop (xrf2)  }
0x1a8: {  	(v2sf) =	vpush v35, $0xF;
	v36, _, _ =	vpop (xrf2)  }
0x1a9: {  	v9 =	vpsel p1, v16, v14;
	(v2sf) =	vpush v36, $0xF  }
0x1aa: {  	(v2sf) =	vpush v9, $0xD;
	_ =	sdelay $0x1  }
0x1ab: {  	(v2sf) =	vpush v9, $0xC  }
0x1ac: {  	(v2sf) =	vpush v9, $0xE;
	_ =	sdelay $0x1  }
0x1ad: {  	(v2sf) =	vpush v9, $0xF;
	_ =	sdelay $0x1  }
0x1ae: {  	(v2sf) =	vpush v9, $0x9;
	_ =	sdelay $0x1  }
0x1af: {  	(v2sf) =	vpush v9, $0x8;
	_ =	sdelay $0x1  }
0x1b0: {  	s0 =	spop @p1 (v2sf);
	(v2sf) =	vpush v9, $0xA  }
0x1b1: {  	s0 =	spop (v2sf);
	(v2sf) =	vpush v9, $0xB  }
0x1b2: {  	s19 =	spop (v2sf)  }
0x1b3: {  	s1 =	spop (v2sf)  }
0x1b4: {  	s22 =	spop (v2sf)  }
0x1b5: {  	[dreg:$0xa] =	wrdreg s0;
	(v2sf) =	vpush v9, $0x0;
	s14 =	smulhi.u32 $0x51EB851F, s22;
	s0 =	sshra.s32 s22, $0x1F  }
0x1b6: {  	(v2sf) =	vpush v9, $0x1;
	s23 =	spop (v2sf);
	s11 =	smul.u32 $0x51EB851F, s0  }
0x1b7: {  	(v2sf) =	vpush v9, $0x2;
	s16 =	smulhi.u32 $0x51EB851F, s23;
	s2 =	spop (v2sf)  }
0x1b8: {  	s20 =	smulhi.u32 $0x51EB851F, s2;
	s2 =	sshra.s32 s2, $0x1F  }
0x1b9: {  	s24 =	spop (v2sf);
	s22 =	smul.u32 $0x51EB851F, s2  }
0x1ba: {  	(v2sf) =	vpush v9, $0x3;
	s21 =	smulhi.u32 $0x51EB851F, s24;
	s2 =	sshra.s32 s24, $0x1F  }
0x1bb: {  	s25 =	spop (v2sf);
	s4 =	smul.u32 $0x51EB851F, s2  }
0x1bc: {  	(v2sf) =	vpush v9, $0x4;
	s24 =	smulhi.u32 $0x51EB851F, s25;
	s2 =	sshra.s32 s25, $0x1F  }
0x1bd: {  	s26 =	spop (v2sf);
	s9 =	smul.u32 $0x51EB851F, s2  }
0x1be: {  	s30 =	smulhi.u32 $0x51EB851F, s26;
	s2 =	sshra.s32 s26, $0x1F  }
0x1bf: {  	s28 =	spop (v2sf);
	s8 =	smul.u32 $0x51EB851F, s2  }
0x1c0: {  	s29 =	smulhi.u32 $0x51EB851F, s28;
	s31 =	spop (v2sf)  }
0x1c1: {  	s19 =	sadd.f32 s1, s19;
	(v2sf) =	vpush v9, $0x5;
	s2 =	sshra.s32 s28, $0x1F;
	s3 =	smulhi.u32 $0x51EB851F, s31  }
0x1c2: {  	(v2sf) =	vpush v9, $0x6;
	s12 =	smul.u32 $0x51EB851F, s2;
	s2 =	sshra.s32 s31, $0x1F;
	[dreg:$0x15] =	wrdreg s29  }
0x1c3: {  	s5 =	smul.u32 $0x51EB851F, s2;
	[dreg:$0x16] =	wrdreg s3  }
0x1c4: {  	s30 =	sadd.s32 s8, s30;
	s8 =	rddreg [dreg:$0x15];
	s6 =	spop (v2sf)  }
0x1c5: {  	s0 =	sshra.s32 s23, $0x1F;
	s7 =	smulhi.u32 $0x51EB851F, s6;
	s18 =	spop (v2sf)  }
0x1c6: {  	s2 =	sshra.s32 s6, $0x1F;
	s23 =	smulhi.u32 $0x51EB851F, s18;
	s25 =	spop (v2sf)  }
0x1c7: {  	(v2sf) =	vpush v9, $0x7;
	[dreg:$0x17] =	wrdreg s7;
	s7 =	smul.u32 $0x51EB851F, s2  }
0x1c8: {  	[dreg:$0x18] =	wrdreg s5;
	s2 =	sshra.s32 s18, $0x1F;
	s26 =	smulhi.u32 $0x51EB851F, s25  }
0x1c9: {  	v12 =	vpsel p1, v13, v12;
	s28 =	spop (v2sf);
	s6 =	smul.u32 $0x51EB851F, s2  }
0x1ca: {  	(v2sf) =	vpush v12, $0xD;
	[dreg:$0x19] =	wrdreg s23;
	s2 =	sshra.s32 s25, $0x1F;
	s29 =	smulhi.u32 $0x51EB851F, s28  }
0x1cb: {  	s5 =	spop (v2sf);
	s3 =	smul.u32 $0x51EB851F, s2;
	s2 =	sshra.s32 s28, $0x1F  }
0x1cc: {  	(v2sf) =	vpush v12, $0xC;
	[dreg:$0x1a] =	wrdreg s26;
	s31 =	smul.u32 $0x51EB851F, s2  }
0x1cd: {  	(v2sf) =	vpush v12, $0xE;
	[dreg:$0x1b] =	wrdreg s29;
	s2 =	smulhi.u32 $0x51EB851F, s5  }
0x1ce: {  	s22 =	sadd.s32 s22, s20;
	s20 =	rddreg [dreg:$0x1a]  }
0x1cf: {  	s13 =	smul.u32 $0x51EB851F, s0;
	(v2sf) =	vpush v12, $0xF;
	s5 =	sshra.s32 s5, $0x1F;
	[dreg:$0x1d] =	wrdreg s2  }
0x1d0: {  	s2 =	smul.u32 $0x51EB851F, s5;
	s5 =	spop (v2sf)  }
0x1d1: {  	(v2sf) =	vpush v12, $0x9;
	s23 =	smulhi.u32 $0x51EB851F, s5;
	s26 =	spop (v2sf)  }
0x1d2: {  	[dreg:$0x1e] =	wrdreg s31;
	s18 =	sshra.s32 s5, $0x1F;
	s28 =	smulhi.u32 $0x51EB851F, s26  }
0x1d3: {  	s0 =	sshra.s32 s26, $0x1F;
	s26 =	sadd.s32 s11, s14;
	s11 =	rddreg [dreg:$0x18]  }
0x1d4: {  	s25 =	smul.u32 $0x51EB851F, s18;
	s14 =	rddreg [dreg:$0x19]  }
0x1d5: {  	[dreg:$0x1f] =	wrdreg s23;
	s0 =	smul.u32 $0x51EB851F, s0  }
0x1d6: {  	s29 =	spop (v2sf);
	[smem:$0x7F4] =	sst s25  }
0x1d7: {  	s31 =	smulhi.u32 $0x51EB851F, s29;
	[smem:$0x7F6] =	sst s0;
	s0 =	sshra.s32 s29, $0x1F  }
0x1d8: {  	(v2sf) =	vpush v12, $0x8;
	[smem:$0x7F5] =	sst s28;
	s0 =	smul.u32 $0x51EB851F, s0  }
0x1d9: {  	[smem:$0x7F7] =	sst s31;
	s5 =	spop (v2sf)  }
0x1da: {  	(v2sf) =	vpush v12, $0xA;
	[smem:$0x7F8] =	sst s0;
	s18 =	smulhi.u32 $0x51EB851F, s5;
	s0 =	sshra.s32 s5, $0x1F  }
0x1db: {  	(v2sf) =	vpush v12, $0xB;
	s23 =	spop (v2sf);
	s0 =	smul.u32 $0x51EB851F, s0  }
0x1dc: {  	s25 =	smulhi.u32 $0x51EB851F, s23;
	s28 =	spop (v2sf)  }
0x1dd: {  	[smem:$0x7F9] =	sst s18;
	s29 =	smulhi.u32 $0x51EB851F, s28  }
0x1de: {  	s1 =	spop (v2sf);
	[smem:$0x7FA] =	sst s0  }
0x1df: {  	[smem:$0x7FB] =	sst s25;
	s0 =	sshra.s32 s23, $0x1F;
	s23 =	sadd.s32 s13, s16  }
0x1e0: {  	s25 =	sadd.s32 s4, s21;
	s4 =	smulhi.u32 $0x51EB851F, s1;
	s5 =	spop (v2sf)  }
0x1e1: {  	s18 =	sshra.s32 s1, $0x1F;
	s13 =	rddreg [dreg:$0x17];
	s31 =	smul.u32 $0x51EB851F, s0  }
0x1e2: {  	[smem:$0x7FC] =	sst s29;
	s0 =	sshra.s32 s28, $0x1F;
	s1 =	smul.u32 $0x51EB851F, s18  }
0x1e3: {  	s28 =	sadd.s32 s9, s24;
	s24 =	smulhi.u32 $0x51EB851F, s5;
	s9 =	rddreg [dreg:$0x16]  }
0x1e4: {  	s29 =	smul.u32 $0x51EB851F, s0;
	[smem:$0x7FD] =	sst s4  }
0x1e5: {  	s4 =	sadd.s32 s12, s8;
	s0 =	sshra.s32 s5, $0x1F;
	s5 =	rddreg [dreg:$0x1e]  }
0x1e6: {  	[dreg:$0x12] =	wrdreg s4;
	s4 =	sadd.s32 s11, s9;
	s18 =	smul.u32 $0x51EB851F, s0  }
0x1e7: {  	s8 =	sadd.s32 s7, s13;
	[dreg:$0x11] =	wrdreg s4;
	s12 =	spop (v2sf)  }
0x1e8: {  	s4 =	rddreg [dreg:$0x1b];
	s21 =	smulhi.u32 $0x51EB851F, s12;
	s0 =	sshra.s32 s12, $0x1F  }
0x1e9: {  	(v2sf) =	vpush v12, $0x0;
	s11 =	sadd.s32 s6, s14;
	s16 =	spop (v2sf);
	s14 =	smul.u32 $0x51EB851F, s0  }
0x1ea: {  	s12 =	smulhi.u32 $0x51EB851F, s16;
	s0 =	sshra.s32 s16, $0x1F;
	s6 =	spop (v2sf)  }
0x1eb: {  	s16 =	sadd.s32 s5, s4;
	s4 =	rddreg [dreg:$0x1d];
	s9 =	smul.u32 $0x51EB851F, s0  }
0x1ec: {  	s7 =	smulhi.u32 $0x51EB851F, s6;
	s0 =	sshra.s32 s6, $0x1F;
	s6 =	sld [smem:$0x7F4]  }
0x1ed: {  	s5 =	rddreg [dreg:$0x1f]  }
0x1ee: {  	s13 =	sadd.s32 s3, s20;
	s20 =	sadd.s32 s2, s4;
	s4 =	sld [smem:$0x7F5]  }
0x1ef: {  	s2 =	sadd.s32 s6, s5;
	s5 =	sld [smem:$0x7F6]  }
0x1f0: {  	s3 =	sld [smem:$0x7F7]  }
0x1f1: {  	(v2sf) =	vpush v12, $0x1;
	[dreg:$0x14] =	wrdreg s2  }
0x1f2: {  	s2 =	sadd.s32 s5, s4;
	s4 =	sld [smem:$0x7F8];
	_ =	sdelay $0x1  }
0x1f3: {  	(v2sf) =	vpush v12, $0x2;
	[dreg:$0x13] =	wrdreg s2  }
0x1f4: {  	s2 =	sadd.s32 s4, s3;
	s3 =	sld [smem:$0x7FA]  }
0x1f5: {  	(v2sf) =	vpush v12, $0x3;
	[dreg:$0x1c] =	wrdreg s2  }
0x1f6: {  	s2 =	sld [smem:$0x7F9]  }
0x1f7: {  	s6 =	smul.u32 $0x51EB851F, s0;
	s0 =	spop (v2sf)  }
0x1f8: {  	s5 =	smulhi.u32 $0x51EB851F, s0;
	s0 =	sshra.s32 s0, $0x1F  }
0x1f9: {  	v37 =	vmov s19;
	s4 =	smul.u32 $0x51EB851F, s0;
	s2 =	sadd.s32 s3, s2  }
0x1fa: {  	(erf) = vrcp.f32 v37;
	s24 =	sadd.s32 s18, s24;
	s18 =	sadd.s32 s14, s21;
	[dreg:$0xb] =	wrdreg s2  }
0x1fb: {  	s14 =	sadd.s32 s4, s5;
	s5 =	sshra.s32 s23, $0x3;
	s2 =	sld [smem:$0x7FB]  }
0x1fc: {  	[dreg:$0x10] =	wrdreg s24;
	s6 =	sadd.s32 s6, s7;
	s4 =	sshra.s32 s26, $0x3;
	v46 =	vmov s5  }
0x1fd: {  	s7 =	sshra.s32 s22, $0x3;
	[dreg:$0xd] =	wrdreg s6;
	v19 =	vsel vm2, s4, v46  }
0x1fe: {  	s21 =	sshra.s32 s25, $0x3;
	v19 =	vsel vm4, s7, v19;
	s2 =	sadd.s32 s31, s2;
	s31 =	sld [smem:$0x7FC]  }
0x1ff: {  	(v2sf) =	vpush v12, $0x4;
	s0 =	spop (v2sf);
	v19 =	vsel vm6, s21, v19;
	s21 =	rddreg [dreg:$0x10]  }
0x200: {  	s6 =	sshrl.u32 s22, $0x1F;
	s3 =	smulhi.u32 $0x51EB851F, s0;
	[dreg:$0xf] =	wrdreg s2  }
0x201: {  	(v2sf) =	vpush v12, $0x5;
	s0 =	sshra.s32 s0, $0x1F;
	s29 =	sadd.s32 s29, s31;
	s31 =	sld [smem:$0x7FD]  }
0x202: {  	(v2sf) =	vpush v12, $0x6;
	s22 =	sshrl.u32 s28, $0x1F;
	s2 =	smul.u32 $0x51EB851F, s0;
	s0 =	spop (v2sf)  }
0x203: {  	v13 =	vpop (erf);
	s5 =	sshra.s32 s20, $0x1F;
	[dreg:$0xc] =	wrdreg s29;
	s29 =	smulhi.u32 $0x51EB851F, s0  }
0x204: {  	v38 =	vmul.f32 s19, v13;
	s0 =	sshra.s32 s0, $0x1F;
	s1 =	sadd.s32 s1, s31;
	s31 =	spop (v2sf)  }
0x205: {  	(v2sf) =	vpush v12, $0x7;
	s4 =	sshra.s32 s16, $0x1F;
	[dreg:$0xe] =	wrdreg s1;
	s1 =	smul.u32 $0x51EB851F, s0  }
0x206: {  	v14 =	vsub.f32 $2.000000000e+00, v38;
	s2 =	sadd.s32 s2, s3;
	s3 =	sshrl.u32 s30, $0x1F;
	s24 =	smulhi.u32 $0x51EB851F, s31  }
0x207: {  	s0 =	sshra.s32 s31, $0x1F;
	s31 =	sadd.s32 s9, s12;
	s9 =	sshrl.u32 s25, $0x1F  }
0x208: {  	v13 =	vmul.f32 v14, v13;
	s0 =	smul.u32 $0x51EB851F, s0;
	s12 =	sadd.s32 s1, s29;
	s1 =	sshrl.u32 s26, $0x1F  }
0x209: {  	s29 =	sshrl.u32 s23, $0x1F;
	s23 =	sshra.s32 s28, $0x3;
	s26 =	sshrl.u32 s11, $0x1F  }
0x20a: {  	v43 =	vmul.f32 s19, v13;
	s28 =	rddreg [dreg:$0x12];
	s0 =	sadd.s32 s0, s24;
	s24 =	sshrl.u32 s8, $0x1F;
	v40 =	vmov s29  }
0x20b: {  	v44 =	vmov s3;
	s29 =	sshrl.u32 s13, $0x1F;
	s19 =	sshra.s32 s28, $0x3;
	v39 =	vmov s24;
	v42 =	vsel vm2, s1, v40;
	s1 =	sshra.s32 s30, $0x3  }
0x20c: {  	v17 =	vsel vm2, s22, v44;
	s24 =	sshrl.u32 s28, $0x1F;
	s30 =	rddreg [dreg:$0x11];
	s28 =	sshrl.u32 s16, $0x1F;
	v41 =	vnsel vm0, $0x0, v39;
	v15 =	vsel vm4, s6, v42  }
0x20d: {  	s6 =	sshrl.u32 s30, $0x1F;
	s25 =	sshra.s32 s30, $0x3;
	v17 =	vsel vm4, s24, v17;
	v47 =	vmov s1;
	v14 =	vsel vm2, s26, v41;
	s26 =	rddreg [dreg:$0x1c]  }
0x20e: {  	s24 =	sshra.s32 s11, $0x3;
	v15 =	vsel vm6, s9, v15;
	s9 =	spop (v2sf);
	v20 =	vsel vm2, s23, v47;
	s23 =	rddreg [dreg:$0xc];
	v14 =	vsel vm4, s29, v14  }
0x20f: {  	s29 =	sshrl.u32 s20, $0x1F;
	s30 =	sshra.s32 s26, $0x1F;
	v20 =	vsel vm4, s19, v20;
	s19 =	rddreg [dreg:$0xf];
	v14 =	vsel vm6, s28, v14  }
0x210: {  	v17 =	vsel vm6, s6, v17;
	s6 =	spop (v2sf);
	v45 =	vmov s30;
	s28 =	sshra.s32 s8, $0x3;
	v14 =	vsel vm8, s29, v14;
	s29 =	rddreg [dreg:$0x14]  }
0x211: {  	vm3 =	vcmask $0x704;
	s8 =	sshra.s32 s8, $0x1F;
	s3 =	spop (v2sf);
	v18 =	vsel vm0, s28, v45;
	s28 =	rddreg [dreg:$0x13]  }
0x212: {  	s30 =	sshrl.u32 s29, $0x1F;
	s22 =	sshrl.u32 s28, $0x1F;
	v18 =	vsel vm3, s8, v18;
	s8 =	sshra.s32 s11, $0x1F  }
0x213: {  	s11 =	sshra.s32 s13, $0x3;
	s7 =	sshra.s32 s29, $0x3;
	v14 =	vsel vm10, s30, v14;
	s30 =	sshrl.u32 s26, $0x1F  }
0x214: {  	vm5 =	vcmask $0xF0C;
	v18 =	vsel vm2, s24, v18;
	s24 =	sshra.s32 s13, $0x1F;
	s13 =	sshra.s32 s20, $0x3;
	v14 =	vsel vm12, s22, v14;
	s22 =	spop (v2sf)  }
0x215: {  	v15 =	vcombine.low v17, v15;
	s20 =	rddreg [dreg:$0xe];
	v18 =	vsel vm5, s8, v18;
	v14 =	vsel vm14, s30, v14;
	s30 =	sshra.s32 s16, $0x3;
	s16 =	smulhi.u32 $0x51EB851F, s22  }
0x216: {  	vm7 =	vcmask $0x1714;
	v20 =	vsel vm6, s25, v20;
	v18 =	vsel vm4, s11, v18;
	s8 =	sshra.s32 s22, $0x1F;
	s22 =	rddreg [dreg:$0xb];
	s11 =	sshrl.u32 s23, $0x1F  }
0x217: {  	v15 =	vperm.xlane v15, v5;
	v19 =	vcombine.low v20, v19;
	v18 =	vsel vm7, s24, v18;
	s24 =	sshrl.u32 s19, $0x1F;
	s1 =	smul.u32 $0x51EB851F, s8;
	s25 =	sshrl.u32 s22, $0x1F  }
0x218: {  	s8 =	sshrl.u32 s20, $0x1F;
	v14 =	vperm.xlane v14, v7;
	v18 =	vsel vm6, s30, v18;
	v48 =	vmov s24;
	s30 =	sshrl.u32 s18, $0x1F;
	s24 =	sshrl.u32 s21, $0x1F  }
0x219: {  	v16 =	vsub.f32 $2.000000000e+00, v43;
	v21 =	vsel vm2, s25, v48;
	v22 =	vmov s30;
	s1 =	sadd.s32 s1, s16;
	s25 =	sshrl.u32 s31, $0x1F;
	s30 =	sshra.s32 s19, $0x3  }
0x21a: {  	v19 =	vperm.xlane v19, v5;
	v18 =	vsel vm9, s4, v18;
	s4 =	sshra.s32 s29, $0x1F;
	s19 =	rddreg [dreg:$0xd];
	s16 =	sshra.s32 s23, $0x3;
	v14 =	vsel vm1, v14, v15  }
0x21b: {  	s29 =	sshra.s32 s21, $0x3;
	s31 =	sshra.s32 s31, $0x3;
	v18 =	vsel vm8, s13, v18;
	v21 =	vsel vm4, s11, v21;
	v22 =	vsel vm2, s24, v22;
	s23 =	sshra.s32 s1, $0x1F  }
0x21c: {  	v23 =	vmov s30;
	s11 =	sshrl.u32 s19, $0x1F;
	s13 =	sshra.s32 s22, $0x3;
	s24 =	sshra.s32 s14, $0x3;
	v22 =	vsel vm4, s25, v22;
	v24 =	vmov s23  }
0x21d: {  	s22 =	sshra.s32 s18, $0x3;
	v21 =	vsel vm6, s8, v21;
	v22 =	vsel vm6, s11, v22;
	s11 =	sshrl.u32 s14, $0x1F;
	v24 =	vsel vm0, s24, v24;
	s14 =	sshra.s32 s14, $0x1F  }
0x21e: {  	s30 =	sshrl.u32 s2, $0x1F;
	s18 =	sshra.s32 s2, $0x3;
	s21 =	sshra.s32 s19, $0x3;
	v49 =	vsel vm2, s13, v23;
	v50 =	vmov s22;
	v24 =	vsel vm3, s14, v24  }
0x21f: {  	s2 =	sshra.s32 s2, $0x1F;
	s25 =	sshra.s32 s20, $0x3;
	s20 =	sshrl.u32 s12, $0x1F;
	v17 =	vsel vm4, s16, v49;
	v23 =	vsel vm2, s29, v50;
	v51 =	vsel vm2, s18, v24  }
0x220: {  	s22 =	smulhi.u32 $0x51EB851F, s9;
	s9 =	sshra.s32 s9, $0x1F;
	s23 =	sshra.s32 s12, $0x3;
	v17 =	vsel vm6, s25, v17;
	v23 =	vsel vm4, s31, v23;
	v15 =	vsel vm5, s2, v51  }
0x221: {  	s12 =	sshra.s32 s12, $0x1F;
	s24 =	sshrl.u32 s0, $0x1F;
	s9 =	smul.u32 $0x51EB851F, s9;
	v21 =	vcombine.low v22, v21;
	v53 =	vmov s11;
	v15 =	vsel vm4, s23, v15  }
0x222: {  	s29 =	sshra.s32 s0, $0x3;
	s25 =	smulhi.u32 $0x51EB851F, s6;
	s6 =	sshra.s32 s6, $0x1F;
	vm3 =	vcmask $0x2724;
	v52 =	vsel vm6, s21, v23;
	v15 =	vsel vm7, s12, v15  }
0x223: {  	s0 =	sshra.s32 s0, $0x1F;
	v20 =	vnsel vm0, $0x0, v53;
	s9 =	sadd.s32 s9, s22;
	s6 =	smul.u32 $0x51EB851F, s6;
	v18 =	vsel vm3, s5, v18;
	v15 =	vsel vm6, s29, v15  }
0x224: {  	v17 =	vcombine.low v52, v17;
	v20 =	vsel vm2, s30, v20;
	s30 =	smulhi.u32 $0x51EB851F, s3;
	s3 =	sshra.s32 s3, $0x1F;
	s31 =	sshra.s32 s9, $0x3;
	v15 =	vsel vm9, s0, v15  }
0x225: {  	v18 =	vsel vm10, s7, v18;
	s11 =	sshra.s32 s9, $0x1F;
	v21 =	vperm.xlane v21, v5;
	s6 =	sadd.s32 s6, s25;
	s3 =	smul.u32 $0x51EB851F, s3;
	v15 =	vsel vm8, s31, v15  }
0x226: {  	s8 =	sshra.s32 s28, $0x3;
	v20 =	vsel vm4, s20, v20;
	v18 =	vsel vm11, s4, v18;
	s14 =	sshra.s32 s6, $0x3;
	v15 =	vsel vm3, s11, v15  }
0x227: {  	s13 =	sshrl.u32 s9, $0x1F;
	v20 =	vsel vm6, s24, v20;
	v18 =	vsel vm12, s8, v18;
	s18 =	sshra.s32 s6, $0x1F;
	s3 =	sadd.s32 s3, s30;
	v15 =	vsel vm10, s14, v15  }
0x228: {  	s12 =	sshra.s32 s28, $0x1F;
	s16 =	sshrl.u32 s6, $0x1F;
	v17 =	vperm.xlane v17, v5;
	v20 =	vsel vm8, s13, v20;
	s21 =	sshra.s32 s3, $0x3;
	v15 =	vsel vm11, s18, v15  }
0x229: {  	s19 =	sshra.s32 s26, $0x3;
	v18 =	vsel vm13, s12, v18;
	v20 =	vsel vm10, s16, v20;
	s20 =	sshrl.u32 s3, $0x1F;
	s23 =	sshra.s32 s3, $0x1F;
	v15 =	vsel vm12, s21, v15  }
0x22a: {  	s22 =	sshrl.u32 s1, $0x1F;
	s24 =	sshra.s32 s1, $0x3;
	v18 =	vsel vm14, s19, v18;
	v20 =	vsel vm12, s20, v20;
	v15 =	vsel vm13, s23, v15  }
0x22b: {  	v18 =	vperm.xlane v18, v7;
	v20 =	vsel vm14, s22, v20;
	v15 =	vsel vm14, s24, v15  }
0x22c: {  	v20 =	vperm.xlane v20, v7;
	v15 =	vperm.xlane v15, v7  }
0x22d: {  	v60 =	vsub.s32 $0x0, v12;
	v13 =	vmul.f32 v16, v13;
	s25 =	smul.u32 $0x19, s15;
	v18 =	vsel vm1, v18, v19  }
0x22e: {  	v14 =	vadd.s32 v14, v18;
	v55 =	vsel vm1, v20, v21;
	v15 =	vsel vm1, v15, v17  }
0x22f: {  	v57 =	vadd.s32 s25, v0;
	v54 =	vmul.u32 $0xFFFFFFE7, v14;
	v15 =	vadd.s32 v55, v15  }
0x230: {  	v56 =	vsub.s32 $0x0, v9;
	v59 =	vadd.s32 s25, v3;
	v58 =	vmul.u32 $0xFFFFFFE7, v15  }
0x231: {  	v11 =	vmul.f32 v13, v11;
	vm3 =	vlt.s32 v9, $0x1;
	vm5 =	vne.s32 v54, v56  }
0x232: {  	s26 =	scvt.f32.s32 s17;
	vm7 =	vlt.s32 v12, $0x1;
	s28 =	rddreg [dreg:$0xa];
	vm3 =	vmand vm3, vm5;
	vm5 =	vne.s32 v58, v60  }
0x233: {  	v10 =	vmul.f32 v13, v10;
	s15 =	sadd.s32 $0x1, s15;
	s1 =	scvt.f32.s32 s28;
	s29 =	simm.s32 $0x4980;
	v61 =	vsel vm3, $0xFFFFFFFF, v8;
	vm3 =	vmand vm7, vm5  }
0x234: {  	p1 =	sne.s32 s15, $0x310;
	s0 =	sadd.s32 $0xFFFFFFF4, s26;
	[tilespmem:v57+s29+$0x0] =	vst.idx.msk $0xffff, v11;
	v14 =	vadd.s32 v61, v14;
	v62 =	vsel vm3, $0xFFFFFFFF, v8  }
.Ltmp2:
0x235: {  	s30 =	simm.s32 $0x9680;
	s1 =	sadd.s32 $0xFFFFFFF4, s1;
	[tilespmem:v59+s29+$0x0] =	vst.idx.msk $0x1ff, v10;
	v11 =	vmul.u32 $0xFFFFFFE7, v14;
	v10 =	vadd.s32 s0, v14;
	v13 =	vadd.s32 v62, v15;
	(pc) =	sbr.rel @p1 .LBB2_5-.Ltmp2, $4  }
0x236: {  	v9 =	vadd.s32 s1, v9;
	[tilespmem:v57+s30+$0x0] =	vst.idx.msk $0xffff, v10;
	v63 =	vmul.u32 $0xFFFFFFE7, v13;
	v10 =	vadd.s32 s0, v13  }
0x237: {  	s31 =	simm.s32 $0xE380;
	v9 =	vadd.s32 v11, v9;
	[tilespmem:v59+s30+$0x0] =	vst.idx.msk $0x1ff, v10;
	v10 =	vadd.s32 s1, v12  }
0x238: {  	[tilespmem:v57+s31+$0x0] =	vst.idx.msk $0xffff, v9;
	v9 =	vadd.s32 v63, v10  }
0x239: {  	s5 =	simm.s32 $0xE380;
	s4 =	simm.s32 $0x9680;
	s3 =	simm.s32 $0x4980;
	[tilespmem:v59+s31+$0x0] =	vst.idx.msk $0x1ff, v9  }
0x23a: {  	s0 =	rddreg [dreg:$0x9]  }
0x23b: {  	s0 =	smul.u32 $0x19, s0;
	_ =	sdelay $0x1  }
0x23c: {  	s1 =	rddreg [dreg:$0x1];
	s0 =	sshrl.u32 s0, $0x3  }
0x23d: {  	s2 =	simm.s32 $0x0;
	s1 =	sadd.s32 s1, s0  }
0x23e: {  	[hbm4b:s1+s2] =	stream.linear.scatter [tilespmem:s3], [sflag:$0x1], $0x4C90, $0x38;
	[tilespmem:$0x13080] =	vst v63  }
0x23f: {  	s3 =	simm.s32 $0x1  }
0x240: {  	_ =	swait.ge [sflag:s3], $0x4C90  }
0x241: {  	[sflag:s3] =	ssyncset.done $0x0  }
0x242: {  	[sflag:s3] =	ssyncadd.s32 $0xFFFFB370  }
0x243: {  	s30 =	rddreg [dreg:$0x2]  }
0x244: {  	s1 =	sadd.s32 s30, s0  }
0x245: {  	[hbm4b:s1+s2] =	stream.linear.scatter [tilespmem:s4], [sflag:$0x1], $0x4C90, $0x38;
	[tilespmem:$0x13080] =	vst v63  }
0x246: {  	_ =	swait.ge [sflag:s3], $0x4C90  }
0x247: {  	[sflag:s3] =	ssyncset.done $0x0  }
0x248: {  	[sflag:s3] =	ssyncadd.s32 $0xFFFFB370  }
0x249: {  	s31 =	rddreg [dreg:$0x3]  }
.Ltmp3:
0x24a: {  	s0 =	sadd.s32 s31, s0;
	(pc) =	sbr.rel @p0 .LBB2_2-.Ltmp3, $4  }
0x24b: {  	[hbm4b:s0+s2] =	stream.linear.scatter [tilespmem:s5], [sflag:$0x1], $0x4C90, $0x38;
	[tilespmem:$0x13080] =	vst v63  }
0x24c: {  	_ =	swait.ge [sflag:s3], $0x4C90  }
0x24d: {  	[sflag:s3] =	ssyncset.done $0x0  }
0x24e: {  	p1 =	por $0x0, $0x0;
	s0 =	simm.s32 $0x310;
	[sflag:s3] =	ssyncadd.s32 $0xFFFFB370  }
0x24f: {  	s1 =	rddreg [dreg:$0x8]  }
0x250: {  	s0 =	rddreg [dreg:$0x7];
	s1 =	sadd.s32 $0x1, s1  }
0x251: {  	p0 =	sne.s32 s1, s0  }
.Ltmp4:
0x252: {  	_ = 	snop;
	(pc) =	sbr.rel @p0 .LBB2_1-.Ltmp4, $1  }
0x253: {  	_ =	sdelay $0x3  }
0x254: {  	_ =	sfence.sel $0x180000  }
0x255: {  	[bflag:$0x0] =	sbarrier.arrive $0xFFFF  }
0x256: {  	_ =	strace $0x90000047  }
0x257: {  	s0 =	stileid.u32;
	[bflag:$0x2] =	sbarrier.arrive $0xFFFF  }
0x258: {  	p0 =	sne.s32 s0, $0x0;
	s0 =	rddreg [dreg:$0x4]  }
0x259: {  	s0 =	sadd.s32 @!p0 $0x100000, s0  }
0x25a: {  	[sflag:s0] =	ssyncadd.tile.s32 @!p0 $0x1;
	_ =	shalt  }
.Lfunc_end2:
_tile_overlayer_lowered:
.L_overlay_start_2:
0x25b: {  	(tag) =	ssettag $0x2  }
0x25c: {  	s0 =	rddreg [dreg:$0x0];
	s2 =	stileid.u32  }
0x25d: {  	s1 =	rddreg [dreg:$0x1];
	p0 =	sne.s32 s2, $0x0  }
0x25e: {  	s3 =	rddreg [dreg:$0x2];
	[bflag:$0x3] =	sbarrier.arrive $0xFFFF;
	s2 =	simm.s32 @!p0 $0x1C01  }
0x25f: {  	[timem:s3], [sflag:s2] =	dma.local @!p0 [hbm:s0], s1  }
0x260: {  	s0 =	simm.s32 @!p0 $0x1  }
0x261: {  	_ =	swait.ge @!p0 [sflag:s0], s1  }
0x262: {  	s1 =	ssub.s32 @!p0 $0x0, s1;
	[sflag:s0] =	ssyncset.done @!p0 $0x0  }
0x263: {  	[sflag:s0] =	ssyncadd.s32 @!p0 s1  }
0x264: {  	[bflag:$0x3] =	sbarrier.arrive $0xFFFF  }
0x265: {  	_ =	shalt  }

</sc_bundles>
